<compile_context>
chip_gen: v7x
topology: tpu7x:2x2x1
jax: 0.10.2.dev20260603
libtpu: 0.0.44.dev20260713+nightly
codegen_flags: <defaults>
</compile_context>

<pallas_src>
import functools

import jax
import jax.numpy as jnp
from jax import lax
from jax.experimental import pallas as pl
from jax.experimental.pallas import tpu as pltpu
from jax.experimental.pallas import tpu_sc as plsc

_B = 16384
_L = 16


def _vgather(vec, idx):
    return vec.at[idx].get(mode="promise_in_bounds")


@functools.lru_cache(maxsize=None)
def _build(nc: int, ns: int):
    nw = nc * ns
    b_per_w = _B // nw
    n_chunks = b_per_w // _L
    mesh = plsc.VectorSubcoreMesh(core_axis_name="c", subcore_axis_name="s",
                                  num_cores=nc)

    @functools.partial(
        pl.kernel,
        mesh=mesh,
        out_type=jax.ShapeDtypeStruct((_B,), jnp.float32),
        scratch_types=[
            pltpu.VMEM((2 * b_per_w,), jnp.int32),
            pltpu.VMEM((b_per_w,), jnp.float32),
            pltpu.VMEM((_L,), jnp.float32),
            pltpu.SemaphoreType.DMA,
            pltpu.SemaphoreType.DMA,
            pltpu.SemaphoreType.DMA,
        ],
    )
    def mf(x_hbm, u_hbm, it_hbm, out_hbm, x_v, out_v, p_v, sem0, sem1, sem2):
        wid = lax.axis_index("s") * nc + lax.axis_index("c")
        base = wid * b_per_w

        cp0 = pltpu.async_copy(u_hbm, p_v.at[pl.ds(0, 8)], sem0)
        cp3 = pltpu.async_copy(it_hbm, p_v.at[pl.ds(8, 8)], sem0)
        cp1 = pltpu.async_copy(x_hbm.at[pl.ds(base, b_per_w)],
                               x_v.at[pl.ds(0, b_per_w)], sem1)
        cp2 = pltpu.async_copy(x_hbm.at[pl.ds(_B + base, b_per_w)],
                               x_v.at[pl.ds(b_per_w, b_per_w)], sem2)
        cp0.wait()
        cp3.wait()

        k16 = lax.iota(jnp.int32, _L)
        r = lax.shift_right_logical(k16, 2)
        c = jnp.bitwise_and(k16, 3)
        p16 = p_v[...]
        u0 = _vgather(p16, 2 * r)
        u1 = _vgather(p16, 2 * r + 1)
        i0 = _vgather(p16, c + 8)
        i1 = _vgather(p16, c + 12)
        tab = u0 * i0 + u1 * i1

        cp1.wait()
        cp2.wait()
        half = b_per_w // 2
        for j in range(n_chunks):
            us = x_v[pl.ds(j * _L, _L)]
            its = x_v[pl.ds(b_per_w + j * _L, _L)]
            flat = lax.shift_left(us, 2) + its
            out_v[pl.ds(j * _L, _L)] = _vgather(tab, flat)
            if j == n_chunks // 2 - 1:
                cp4 = pltpu.async_copy(out_v.at[pl.ds(0, half)],
                                       out_hbm.at[pl.ds(base, half)], sem0)

        cp5 = pltpu.async_copy(out_v.at[pl.ds(half, half)],
                               out_hbm.at[pl.ds(base + half, half)], sem1)
        cp4.wait()
        cp5.wait()

    return mf


def kernel(x, user_matrix, item_matrix):
    xt = x.astype(jnp.int32).T.reshape(-1)
    return _build(1, 16)(xt,
                         user_matrix.astype(jnp.float32).reshape(-1),
                         item_matrix.astype(jnp.float32).reshape(-1))

# --- scband reference (transcript-rebuilt; emitter-appended) ---
"""Pipeline reference for scband-mf-19696720019957 (READ-ONLY COPY).

The authoritative reference and input builder live on the scoring server;
editing this copy changes nothing except your own understanding.
"""

import jax, jax.numpy as jnp
import numpy as np


def setup_inputs(seed: int = 0) -> dict:
    key = jax.random.key(seed)
    k1, k2, k3 = jax.random.split(key, 3)
    # x is a batch of (user_idx, item_idx) pairs; score_matrix is 4x4 so indices < 4
    x = jax.random.randint(k1, (16384, 2), 0, 4, dtype=jnp.int64)
    user_matrix = jax.random.normal(k2, (4, 2), dtype=jnp.float32) * 0.1
    item_matrix = jax.random.normal(k3, (2, 4), dtype=jnp.float32) * 0.1
    return {"x": x, "user_matrix": user_matrix, "item_matrix": item_matrix}


def reference(x, user_matrix, item_matrix):
    # score_matrix = self.user_matrix.matmul(self.item_matrix)
    score_matrix = user_matrix @ item_matrix
    # xs, ys = list(zip(*x)); return score_matrix[xs, ys]
    xs = x[:, 0]
    ys = x[:, 1]
    return score_matrix[xs, ys]

if __name__ == "__main__":
    import jax
    _d = setup_inputs()
    print(jax.jit(kernel)(*tuple(_d.values())))

</pallas_src>

<mosaic_0001>
#map = affine_map<(d0, d1) -> (0)>
module attributes {stable_mosaic.version = 14 : i64} {
  func.func @mf(%arg0: i32, %arg1: i32, %arg2: memref<32768xi32, #tpu.memory_space<hbm>>, %arg3: memref<8xf32, #tpu.memory_space<hbm>>, %arg4: memref<8xf32, #tpu.memory_space<hbm>>, %arg5: memref<16384xf32, #tpu.memory_space<hbm>>, %arg6: memref<2048xi32, #tpu.memory_space<vmem>>, %arg7: memref<1024xf32, #tpu.memory_space<vmem>>, %arg8: memref<16xf32, #tpu.memory_space<vmem>>, %arg9: memref<!tpu.dma_semaphore, #tpu.memory_space<semaphore_mem>>, %arg10: memref<!tpu.dma_semaphore, #tpu.memory_space<semaphore_mem>>, %arg11: memref<!tpu.dma_semaphore, #tpu.memory_space<semaphore_mem>>) attributes {dimension_semantics = [#tpu.dimension_semantics<core_parallel>, #tpu.dimension_semantics<subcore_parallel>], iteration_bounds = array<i64: 1, 16>, scalar_prefetch = 0 : i64, scratch_operands = 6 : i64, tpu.core_type = #tpu.core_type<sc_vector_subcore>, window_params = [{transform_indices = #map}, {transform_indices = #map}, {transform_indices = #map}, {transform_indices = #map}]} {
    %mul3A = arith.constant 1 : i32
    %mul3A_0 = arith.muli %arg1, %mul3A : i32
    %add3A = arith.addi %mul3A_0, %arg0 : i32
    %mul3A_1 = arith.constant 1024 : i32
    %mul3A_2 = arith.muli %add3A, %mul3A_1 : i32
    %dma_start3A = arith.constant 0 : i32
    %dma_start3A_3 = tpu.memref_slice %arg8[%dma_start3A] : memref<16xf32, #tpu.memory_space<vmem>> -> memref<8xf32, #tpu.memory_space<vmem>>
    %dma_start3A_4 = arith.constant 0 : i32
    %dma_start3A_5 = tpu.memref_slice %arg8[%dma_start3A_4] : memref<16xf32, #tpu.memory_space<vmem>> -> memref<8xf32, #tpu.memory_space<vmem>>
    tpu.enqueue_dma source(%arg3 : memref<8xf32, #tpu.memory_space<hbm>>) target(%dma_start3A_5 : memref<8xf32, #tpu.memory_space<vmem>>) target_semaphore(%arg9 : memref<!tpu.dma_semaphore, #tpu.memory_space<semaphore_mem>>)
    %dma_start3A_6 = arith.constant 8 : i32
    %dma_start3A_7 = tpu.memref_slice %arg8[%dma_start3A_6] : memref<16xf32, #tpu.memory_space<vmem>> -> memref<8xf32, #tpu.memory_space<vmem>>
    %dma_start3A_8 = arith.constant 8 : i32
    %dma_start3A_9 = tpu.memref_slice %arg8[%dma_start3A_8] : memref<16xf32, #tpu.memory_space<vmem>> -> memref<8xf32, #tpu.memory_space<vmem>>
    tpu.enqueue_dma source(%arg4 : memref<8xf32, #tpu.memory_space<hbm>>) target(%dma_start3A_9 : memref<8xf32, #tpu.memory_space<vmem>>) target_semaphore(%arg9 : memref<!tpu.dma_semaphore, #tpu.memory_space<semaphore_mem>>)
    %dma_start3A_10 = arith.constant 0 : i32
    %dma_start3A_11 = tpu.memref_slice %arg6[%dma_start3A_10] : memref<2048xi32, #tpu.memory_space<vmem>> -> memref<1024xi32, #tpu.memory_space<vmem>>
    %dma_start3A_12 = tpu.memref_slice %arg2[%mul3A_2] : memref<32768xi32, #tpu.memory_space<hbm>> -> memref<1024xi32, #tpu.memory_space<hbm>>
    %dma_start3A_13 = arith.constant 0 : i32
    %dma_start3A_14 = tpu.memref_slice %arg6[%dma_start3A_13] : memref<2048xi32, #tpu.memory_space<vmem>> -> memref<1024xi32, #tpu.memory_space<vmem>>
    %dma_start3A_15 = tpu.memref_slice %arg2[%mul3A_2] : memref<32768xi32, #tpu.memory_space<hbm>> -> memref<1024xi32, #tpu.memory_space<hbm>>
    tpu.enqueue_dma source(%dma_start3A_15 : memref<1024xi32, #tpu.memory_space<hbm>>) target(%dma_start3A_14 : memref<1024xi32, #tpu.memory_space<vmem>>) target_semaphore(%arg10 : memref<!tpu.dma_semaphore, #tpu.memory_space<semaphore_mem>>)
    %add3A_16 = arith.constant 16384 : i32
    %add3A_17 = arith.addi %add3A_16, %mul3A_2 : i32
    %dma_start3A_18 = arith.constant 1024 : i32
    %dma_start3A_19 = tpu.memref_slice %arg6[%dma_start3A_18] : memref<2048xi32, #tpu.memory_space<vmem>> -> memref<1024xi32, #tpu.memory_space<vmem>>
    %dma_start3A_20 = tpu.memref_slice %arg2[%add3A_17] : memref<32768xi32, #tpu.memory_space<hbm>> -> memref<1024xi32, #tpu.memory_space<hbm>>
    %dma_start3A_21 = arith.constant 1024 : i32
    %dma_start3A_22 = tpu.memref_slice %arg6[%dma_start3A_21] : memref<2048xi32, #tpu.memory_space<vmem>> -> memref<1024xi32, #tpu.memory_space<vmem>>
    %dma_start3A_23 = tpu.memref_slice %arg2[%add3A_17] : memref<32768xi32, #tpu.memory_space<hbm>> -> memref<1024xi32, #tpu.memory_space<hbm>>
    tpu.enqueue_dma source(%dma_start3A_23 : memref<1024xi32, #tpu.memory_space<hbm>>) target(%dma_start3A_22 : memref<1024xi32, #tpu.memory_space<vmem>>) target_semaphore(%arg11 : memref<!tpu.dma_semaphore, #tpu.memory_space<semaphore_mem>>)
    %dma_wait3A = arith.constant 0 : i32
    %dma_wait3A_24 = tpu.memref_slice %arg8[%dma_wait3A] : memref<16xf32, #tpu.memory_space<vmem>> -> memref<8xf32, #tpu.memory_space<vmem>>
    %dma_wait3A_25 = arith.constant 0 : i32
    %dma_wait3A_26 = tpu.memref_slice %arg8[%dma_wait3A_25] : memref<16xf32, #tpu.memory_space<vmem>> -> memref<8xf32, #tpu.memory_space<vmem>>
    tpu.wait_dma2 semaphore(%arg9 : memref<!tpu.dma_semaphore, #tpu.memory_space<semaphore_mem>>) src(%arg3 : memref<8xf32, #tpu.memory_space<hbm>>) dst(%dma_wait3A_26 : memref<8xf32, #tpu.memory_space<vmem>>)
    %dma_wait3A_27 = arith.constant 8 : i32
    %dma_wait3A_28 = tpu.memref_slice %arg8[%dma_wait3A_27] : memref<16xf32, #tpu.memory_space<vmem>> -> memref<8xf32, #tpu.memory_space<vmem>>
    %dma_wait3A_29 = arith.constant 8 : i32
    %dma_wait3A_30 = tpu.memref_slice %arg8[%dma_wait3A_29] : memref<16xf32, #tpu.memory_space<vmem>> -> memref<8xf32, #tpu.memory_space<vmem>>
    tpu.wait_dma2 semaphore(%arg9 : memref<!tpu.dma_semaphore, #tpu.memory_space<semaphore_mem>>) src(%arg4 : memref<8xf32, #tpu.memory_space<hbm>>) dst(%dma_wait3A_30 : memref<8xf32, #tpu.memory_space<vmem>>)
    %iota3A = tpu.iota {dimensions = array<i32: 0>} : vector<16xi32>
    %shift_right_logical3A = arith.constant 2 : i32
    %shift_right_logical3A_31 = vector.broadcast %shift_right_logical3A : i32 to vector<16xi32>
    %shift_right_logical3A_32 = arith.shrui %iota3A, %shift_right_logical3A_31 : vector<16xi32>
    %and3A = arith.constant 3 : i32
    %and3A_33 = vector.broadcast %and3A : i32 to vector<16xi32>
    %and3A_34 = arith.andi %iota3A, %and3A_33 : vector<16xi32>
    %get3A = arith.constant 0 : index
    %get3A_35 = tpu.vector_load %arg8[%get3A] {strides = array<i32>} : memref<16xf32, #tpu.memory_space<vmem>>, vector<16xf32>,
    %get3A_36 = vector.shape_cast %get3A_35 : vector<16xf32> to vector<16xf32>
    %mul3A_37 = arith.constant 2 : i32
    %mul3A_38 = vector.broadcast %mul3A_37 : i32 to vector<16xi32>
    %mul3A_39 = arith.muli %mul3A_38, %shift_right_logical3A_32 : vector<16xi32>
    %lt3A = arith.constant 0 : i32
    %lt3A_40 = vector.broadcast %lt3A : i32 to vector<16xi32>
    %lt3A_41 = arith.cmpi slt, %mul3A_39, %lt3A_40 : vector<16xi32>
    %add3A_42 = arith.constant 16 : i32
    %add3A_43 = vector.broadcast %add3A_42 : i32 to vector<16xi32>
    %add3A_44 = arith.addi %mul3A_39, %add3A_43 : vector<16xi32>
    %select_n3A = arith.select %lt3A_41, %add3A_44, %mul3A_39 : vector<16xi1>, vector<16xi32>
    %broadcast_in_dim3A = vector.shape_cast %select_n3A : vector<16xi32> to vector<16x1xi32>
    %gather3A = vector.shape_cast %broadcast_in_dim3A : vector<16x1xi32> to vector<16xi32>
    %gather3A_45 = tpu.dynamic_gather %get3A_36[%gather3A] in [0] : vector<16xf32>, vector<16xi32> -> vector<16xf32>
    %mul3A_46 = arith.constant 2 : i32
    %mul3A_47 = vector.broadcast %mul3A_46 : i32 to vector<16xi32>
    %mul3A_48 = arith.muli %mul3A_47, %shift_right_logical3A_32 : vector<16xi32>
    %add3A_49 = arith.constant 1 : i32
    %add3A_50 = vector.broadcast %add3A_49 : i32 to vector<16xi32>
    %add3A_51 = arith.addi %mul3A_48, %add3A_50 : vector<16xi32>
    %lt3A_52 = arith.constant 0 : i32
    %lt3A_53 = vector.broadcast %lt3A_52 : i32 to vector<16xi32>
    %lt3A_54 = arith.cmpi slt, %add3A_51, %lt3A_53 : vector<16xi32>
    %add3A_55 = arith.constant 16 : i32
    %add3A_56 = vector.broadcast %add3A_55 : i32 to vector<16xi32>
    %add3A_57 = arith.addi %add3A_51, %add3A_56 : vector<16xi32>
    %select_n3A_58 = arith.select %lt3A_54, %add3A_57, %add3A_51 : vector<16xi1>, vector<16xi32>
    %broadcast_in_dim3A_59 = vector.shape_cast %select_n3A_58 : vector<16xi32> to vector<16x1xi32>
    %gather3A_60 = vector.shape_cast %broadcast_in_dim3A_59 : vector<16x1xi32> to vector<16xi32>
    %gather3A_61 = tpu.dynamic_gather %get3A_36[%gather3A_60] in [0] : vector<16xf32>, vector<16xi32> -> vector<16xf32>
    %add3A_62 = arith.constant 8 : i32
    %add3A_63 = vector.broadcast %add3A_62 : i32 to vector<16xi32>
    %add3A_64 = arith.addi %and3A_34, %add3A_63 : vector<16xi32>
    %lt3A_65 = arith.constant 0 : i32
    %lt3A_66 = vector.broadcast %lt3A_65 : i32 to vector<16xi32>
    %lt3A_67 = arith.cmpi slt, %add3A_64, %lt3A_66 : vector<16xi32>
    %add3A_68 = arith.constant 16 : i32
    %add3A_69 = vector.broadcast %add3A_68 : i32 to vector<16xi32>
    %add3A_70 = arith.addi %add3A_64, %add3A_69 : vector<16xi32>
    %select_n3A_71 = arith.select %lt3A_67, %add3A_70, %add3A_64 : vector<16xi1>, vector<16xi32>
    %broadcast_in_dim3A_72 = vector.shape_cast %select_n3A_71 : vector<16xi32> to vector<16x1xi32>
    %gather3A_73 = vector.shape_cast %broadcast_in_dim3A_72 : vector<16x1xi32> to vector<16xi32>
    %gather3A_74 = tpu.dynamic_gather %get3A_36[%gather3A_73] in [0] : vector<16xf32>, vector<16xi32> -> vector<16xf32>
    %add3A_75 = arith.constant 12 : i32
    %add3A_76 = vector.broadcast %add3A_75 : i32 to vector<16xi32>
    %add3A_77 = arith.addi %and3A_34, %add3A_76 : vector<16xi32>
    %lt3A_78 = arith.constant 0 : i32
    %lt3A_79 = vector.broadcast %lt3A_78 : i32 to vector<16xi32>
    %lt3A_80 = arith.cmpi slt, %add3A_77, %lt3A_79 : vector<16xi32>
    %add3A_81 = arith.constant 16 : i32
    %add3A_82 = vector.broadcast %add3A_81 : i32 to vector<16xi32>
    %add3A_83 = arith.addi %add3A_77, %add3A_82 : vector<16xi32>
    %select_n3A_84 = arith.select %lt3A_80, %add3A_83, %add3A_77 : vector<16xi1>, vector<16xi32>
    %broadcast_in_dim3A_85 = vector.shape_cast %select_n3A_84 : vector<16xi32> to vector<16x1xi32>
    %gather3A_86 = vector.shape_cast %broadcast_in_dim3A_85 : vector<16x1xi32> to vector<16xi32>
    %gather3A_87 = tpu.dynamic_gather %get3A_36[%gather3A_86] in [0] : vector<16xf32>, vector<16xi32> -> vector<16xf32>
    %mul3A_88 = arith.mulf %gather3A_45, %gather3A_74 : vector<16xf32>
    %mul3A_89 = arith.mulf %gather3A_61, %gather3A_87 : vector<16xf32>
    %add3A_90 = arith.addf %mul3A_88, %mul3A_89 : vector<16xf32>
    %dma_wait3A_91 = arith.constant 0 : i32
    %dma_wait3A_92 = tpu.memref_slice %arg6[%dma_wait3A_91] : memref<2048xi32, #tpu.memory_space<vmem>> -> memref<1024xi32, #tpu.memory_space<vmem>>
    %dma_wait3A_93 = tpu.memref_slice %arg2[%mul3A_2] : memref<32768xi32, #tpu.memory_space<hbm>> -> memref<1024xi32, #tpu.memory_space<hbm>>
    %dma_wait3A_94 = arith.constant 0 : i32
    %dma_wait3A_95 = tpu.memref_slice %arg6[%dma_wait3A_94] : memref<2048xi32, #tpu.memory_space<vmem>> -> memref<1024xi32, #tpu.memory_space<vmem>>
    %dma_wait3A_96 = tpu.memref_slice %arg2[%mul3A_2] : memref<32768xi32, #tpu.memory_space<hbm>> -> memref<1024xi32, #tpu.memory_space<hbm>>
    tpu.wait_dma2 semaphore(%arg10 : memref<!tpu.dma_semaphore, #tpu.memory_space<semaphore_mem>>) src(%dma_wait3A_96 : memref<1024xi32, #tpu.memory_space<hbm>>) dst(%dma_wait3A_95 : memref<1024xi32, #tpu.memory_space<vmem>>)
    %dma_wait3A_97 = arith.constant 1024 : i32
    %dma_wait3A_98 = tpu.memref_slice %arg6[%dma_wait3A_97] : memref<2048xi32, #tpu.memory_space<vmem>> -> memref<1024xi32, #tpu.memory_space<vmem>>
    %dma_wait3A_99 = tpu.memref_slice %arg2[%add3A_17] : memref<32768xi32, #tpu.memory_space<hbm>> -> memref<1024xi32, #tpu.memory_space<hbm>>
    %dma_wait3A_100 = arith.constant 1024 : i32
    %dma_wait3A_101 = tpu.memref_slice %arg6[%dma_wait3A_100] : memref<2048xi32, #tpu.memory_space<vmem>> -> memref<1024xi32, #tpu.memory_space<vmem>>
    %dma_wait3A_102 = tpu.memref_slice %arg2[%add3A_17] : memref<32768xi32, #tpu.memory_space<hbm>> -> memref<1024xi32, #tpu.memory_space<hbm>>
    tpu.wait_dma2 semaphore(%arg11 : memref<!tpu.dma_semaphore, #tpu.memory_space<semaphore_mem>>) src(%dma_wait3A_102 : memref<1024xi32, #tpu.memory_space<hbm>>) dst(%dma_wait3A_101 : memref<1024xi32, #tpu.memory_space<vmem>>)
    %get3A_103 = arith.constant 0 : index
    %get3A_104 = tpu.vector_load %arg6[%get3A_103] {strides = array<i32>} : memref<2048xi32, #tpu.memory_space<vmem>>, vector<16xi32>,
    %get3A_105 = vector.shape_cast %get3A_104 : vector<16xi32> to vector<16xi32>
    %get3A_106 = arith.constant 1024 : index
    %get3A_107 = tpu.vector_load %arg6[%get3A_106] {strides = array<i32>} : memref<2048xi32, #tpu.memory_space<vmem>>, vector<16xi32>,
    %get3A_108 = vector.shape_cast %get3A_107 : vector<16xi32> to vector<16xi32>
    %shift_left3A = arith.constant 2 : i32
    %shift_left3A_109 = vector.broadcast %shift_left3A : i32 to vector<16xi32>
    %shift_left3A_110 = arith.shli %get3A_105, %shift_left3A_109 : vector<16xi32>
    %add3A_111 = arith.addi %shift_left3A_110, %get3A_108 : vector<16xi32>
    %lt3A_112 = arith.constant 0 : i32
    %lt3A_113 = vector.broadcast %lt3A_112 : i32 to vector<16xi32>
    %lt3A_114 = arith.cmpi slt, %add3A_111, %lt3A_113 : vector<16xi32>
    %add3A_115 = arith.constant 16 : i32
    %add3A_116 = vector.broadcast %add3A_115 : i32 to vector<16xi32>
    %add3A_117 = arith.addi %add3A_111, %add3A_116 : vector<16xi32>
    %select_n3A_118 = arith.select %lt3A_114, %add3A_117, %add3A_111 : vector<16xi1>, vector<16xi32>
    %broadcast_in_dim3A_119 = vector.shape_cast %select_n3A_118 : vector<16xi32> to vector<16x1xi32>
    %gather3A_120 = vector.shape_cast %broadcast_in_dim3A_119 : vector<16x1xi32> to vector<16xi32>
    %gather3A_121 = tpu.dynamic_gather %add3A_90[%gather3A_120] in [0] : vector<16xf32>, vector<16xi32> -> vector<16xf32>
    %swap3A = arith.constant 0 : index
    %swap3A_122 = tpu.vector_load %arg7[%swap3A] {strides = array<i32>} : memref<1024xf32, #tpu.memory_space<vmem>>, vector<16xf32>,
    %swap3A_123 = vector.shape_cast %swap3A_122 : vector<16xf32> to vector<16xf32>
    %swap3A_124 = vector.shape_cast %gather3A_121 : vector<16xf32> to vector<16xf32>
    tpu.vector_store %arg7[%swap3A], %swap3A_124 {strides = array<i32>} : memref<1024xf32, #tpu.memory_space<vmem>>, vector<16xf32>,
    %get3A_125 = arith.constant 16 : index
    %get3A_126 = tpu.vector_load %arg6[%get3A_125] {strides = array<i32>} : memref<2048xi32, #tpu.memory_space<vmem>>, vector<16xi32>,
    %get3A_127 = vector.shape_cast %get3A_126 : vector<16xi32> to vector<16xi32>
    %get3A_128 = arith.constant 1040 : index
    %get3A_129 = tpu.vector_load %arg6[%get3A_128] {strides = array<i32>} : memref<2048xi32, #tpu.memory_space<vmem>>, vector<16xi32>,
    %get3A_130 = vector.shape_cast %get3A_129 : vector<16xi32> to vector<16xi32>
    %shift_left3A_131 = arith.constant 2 : i32
    %shift_left3A_132 = vector.broadcast %shift_left3A_131 : i32 to vector<16xi32>
    %shift_left3A_133 = arith.shli %get3A_127, %shift_left3A_132 : vector<16xi32>
    %add3A_134 = arith.addi %shift_left3A_133, %get3A_130 : vector<16xi32>
    %lt3A_135 = arith.constant 0 : i32
    %lt3A_136 = vector.broadcast %lt3A_135 : i32 to vector<16xi32>
    %lt3A_137 = arith.cmpi slt, %add3A_134, %lt3A_136 : vector<16xi32>
    %add3A_138 = arith.constant 16 : i32
    %add3A_139 = vector.broadcast %add3A_138 : i32 to vector<16xi32>
    %add3A_140 = arith.addi %add3A_134, %add3A_139 : vector<16xi32>
    %select_n3A_141 = arith.select %lt3A_137, %add3A_140, %add3A_134 : vector<16xi1>, vector<16xi32>
    %broadcast_in_dim3A_142 = vector.shape_cast %select_n3A_141 : vector<16xi32> to vector<16x1xi32>
    %gather3A_143 = vector.shape_cast %broadcast_in_dim3A_142 : vector<16x1xi32> to vector<16xi32>
    %gather3A_144 = tpu.dynamic_gather %add3A_90[%gather3A_143] in [0] : vector<16xf32>, vector<16xi32> -> vector<16xf32>
    %swap3A_145 = arith.constant 16 : index
    %swap3A_146 = tpu.vector_load %arg7[%swap3A_145] {strides = array<i32>} : memref<1024xf32, #tpu.memory_space<vmem>>, vector<16xf32>,
    %swap3A_147 = vector.shape_cast %swap3A_146 : vector<16xf32> to vector<16xf32>
    %swap3A_148 = vector.shape_cast %gather3A_144 : vector<16xf32> to vector<16xf32>
    tpu.vector_store %arg7[%swap3A_145], %swap3A_148 {strides = array<i32>} : memref<1024xf32, #tpu.memory_space<vmem>>, vector<16xf32>,
    %get3A_149 = arith.constant 32 : index
    %get3A_150 = tpu.vector_load %arg6[%get3A_149] {strides = array<i32>} : memref<2048xi32, #tpu.memory_space<vmem>>, vector<16xi32>,
    %get3A_151 = vector.shape_cast %get3A_150 : vector<16xi32> to vector<16xi32>
    %get3A_152 = arith.constant 1056 : index
    %get3A_153 = tpu.vector_load %arg6[%get3A_152] {strides = array<i32>} : memref<2048xi32, #tpu.memory_space<vmem>>, vector<16xi32>,
    %get3A_154 = vector.shape_cast %get3A_153 : vector<16xi32> to vector<16xi32>
    %shift_left3A_155 = arith.constant 2 : i32
    %shift_left3A_156 = vector.broadcast %shift_left3A_155 : i32 to vector<16xi32>
    %shift_left3A_157 = arith.shli %get3A_151, %shift_left3A_156 : vector<16xi32>
    %add3A_158 = arith.addi %shift_left3A_157, %get3A_154 : vector<16xi32>
    %lt3A_159 = arith.constant 0 : i32
    %lt3A_160 = vector.broadcast %lt3A_159 : i32 to vector<16xi32>
    %lt3A_161 = arith.cmpi slt, %add3A_158, %lt3A_160 : vector<16xi32>
    %add3A_162 = arith.constant 16 : i32
    %add3A_163 = vector.broadcast %add3A_162 : i32 to vector<16xi32>
    %add3A_164 = arith.addi %add3A_158, %add3A_163 : vector<16xi32>
    %select_n3A_165 = arith.select %lt3A_161, %add3A_164, %add3A_158 : vector<16xi1>, vector<16xi32>
    %broadcast_in_dim3A_166 = vector.shape_cast %select_n3A_165 : vector<16xi32> to vector<16x1xi32>
    %gather3A_167 = vector.shape_cast %broadcast_in_dim3A_166 : vector<16x1xi32> to vector<16xi32>
    %gather3A_168 = tpu.dynamic_gather %add3A_90[%gather3A_167] in [0] : vector<16xf32>, vector<16xi32> -> vector<16xf32>
    %swap3A_169 = arith.constant 32 : index
    %swap3A_170 = tpu.vector_load %arg7[%swap3A_169] {strides = array<i32>} : memref<1024xf32, #tpu.memory_space<vmem>>, vector<16xf32>,
    %swap3A_171 = vector.shape_cast %swap3A_170 : vector<16xf32> to vector<16xf32>
    %swap3A_172 = vector.shape_cast %gather3A_168 : vector<16xf32> to vector<16xf32>
    tpu.vector_store %arg7[%swap3A_169], %swap3A_172 {strides = array<i32>} : memref<1024xf32, #tpu.memory_space<vmem>>, vector<16xf32>,
    %get3A_173 = arith.constant 48 : index
    %get3A_174 = tpu.vector_load %arg6[%get3A_173] {strides = array<i32>} : memref<2048xi32, #tpu.memory_space<vmem>>, vector<16xi32>,
    %get3A_175 = vector.shape_cast %get3A_174 : vector<16xi32> to vector<16xi32>
    %get3A_176 = arith.constant 1072 : index
    %get3A_177 = tpu.vector_load %arg6[%get3A_176] {strides = array<i32>} : memref<2048xi32, #tpu.memory_space<vmem>>, vector<16xi32>,
    %get3A_178 = vector.shape_cast %get3A_177 : vector<16xi32> to vector<16xi32>
    %shift_left3A_179 = arith.constant 2 : i32
    %shift_left3A_180 = vector.broadcast %shift_left3A_179 : i32 to vector<16xi32>
    %shift_left3A_181 = arith.shli %get3A_175, %shift_left3A_180 : vector<16xi32>
    %add3A_182 = arith.addi %shift_left3A_181, %get3A_178 : vector<16xi32>
    %lt3A_183 = arith.constant 0 : i32
    %lt3A_184 = vector.broadcast %lt3A_183 : i32 to vector<16xi32>
    %lt3A_185 = arith.cmpi slt, %add3A_182, %lt3A_184 : vector<16xi32>
    %add3A_186 = arith.constant 16 : i32
    %add3A_187 = vector.broadcast %add3A_186 : i32 to vector<16xi32>
    %add3A_188 = arith.addi %add3A_182, %add3A_187 : vector<16xi32>
    %select_n3A_189 = arith.select %lt3A_185, %add3A_188, %add3A_182 : vector<16xi1>, vector<16xi32>
    %broadcast_in_dim3A_190 = vector.shape_cast %select_n3A_189 : vector<16xi32> to vector<16x1xi32>
    %gather3A_191 = vector.shape_cast %broadcast_in_dim3A_190 : vector<16x1xi32> to vector<16xi32>
    %gather3A_192 = tpu.dynamic_gather %add3A_90[%gather3A_191] in [0] : vector<16xf32>, vector<16xi32> -> vector<16xf32>
    %swap3A_193 = arith.constant 48 : index
    %swap3A_194 = tpu.vector_load %arg7[%swap3A_193] {strides = array<i32>} : memref<1024xf32, #tpu.memory_space<vmem>>, vector<16xf32>,
    %swap3A_195 = vector.shape_cast %swap3A_194 : vector<16xf32> to vector<16xf32>
    %swap3A_196 = vector.shape_cast %gather3A_192 : vector<16xf32> to vector<16xf32>
    tpu.vector_store %arg7[%swap3A_193], %swap3A_196 {strides = array<i32>} : memref<1024xf32, #tpu.memory_space<vmem>>, vector<16xf32>,
    %get3A_197 = arith.constant 64 : index
    %get3A_198 = tpu.vector_load %arg6[%get3A_197] {strides = array<i32>} : memref<2048xi32, #tpu.memory_space<vmem>>, vector<16xi32>,
    %get3A_199 = vector.shape_cast %get3A_198 : vector<16xi32> to vector<16xi32>
    %get3A_200 = arith.constant 1088 : index
    %get3A_201 = tpu.vector_load %arg6[%get3A_200] {strides = array<i32>} : memref<2048xi32, #tpu.memory_space<vmem>>, vector<16xi32>,
    %get3A_202 = vector.shape_cast %get3A_201 : vector<16xi32> to vector<16xi32>
    %shift_left3A_203 = arith.constant 2 : i32
    %shift_left3A_204 = vector.broadcast %shift_left3A_203 : i32 to vector<16xi32>
    %shift_left3A_205 = arith.shli %get3A_199, %shift_left3A_204 : vector<16xi32>
    %add3A_206 = arith.addi %shift_left3A_205, %get3A_202 : vector<16xi32>
    %lt3A_207 = arith.constant 0 : i32
    %lt3A_208 = vector.broadcast %lt3A_207 : i32 to vector<16xi32>
    %lt3A_209 = arith.cmpi slt, %add3A_206, %lt3A_208 : vector<16xi32>
    %add3A_210 = arith.constant 16 : i32
    %add3A_211 = vector.broadcast %add3A_210 : i32 to vector<16xi32>
    %add3A_212 = arith.addi %add3A_206, %add3A_211 : vector<16xi32>
    %select_n3A_213 = arith.select %lt3A_209, %add3A_212, %add3A_206 : vector<16xi1>, vector<16xi32>
    %broadcast_in_dim3A_214 = vector.shape_cast %select_n3A_213 : vector<16xi32> to vector<16x1xi32>
    %gather3A_215 = vector.shape_cast %broadcast_in_dim3A_214 : vector<16x1xi32> to vector<16xi32>
    %gather3A_216 = tpu.dynamic_gather %add3A_90[%gather3A_215] in [0] : vector<16xf32>, vector<16xi32> -> vector<16xf32>
    %swap3A_217 = arith.constant 64 : index
    %swap3A_218 = tpu.vector_load %arg7[%swap3A_217] {strides = array<i32>} : memref<1024xf32, #tpu.memory_space<vmem>>, vector<16xf32>,
    %swap3A_219 = vector.shape_cast %swap3A_218 : vector<16xf32> to vector<16xf32>
    %swap3A_220 = vector.shape_cast %gather3A_216 : vector<16xf32> to vector<16xf32>
    tpu.vector_store %arg7[%swap3A_217], %swap3A_220 {strides = array<i32>} : memref<1024xf32, #tpu.memory_space<vmem>>, vector<16xf32>,
    %get3A_221 = arith.constant 80 : index
    %get3A_222 = tpu.vector_load %arg6[%get3A_221] {strides = array<i32>} : memref<2048xi32, #tpu.memory_space<vmem>>, vector<16xi32>,
    %get3A_223 = vector.shape_cast %get3A_222 : vector<16xi32> to vector<16xi32>
    %get3A_224 = arith.constant 1104 : index
    %get3A_225 = tpu.vector_load %arg6[%get3A_224] {strides = array<i32>} : memref<2048xi32, #tpu.memory_space<vmem>>, vector<16xi32>,
    %get3A_226 = vector.shape_cast %get3A_225 : vector<16xi32> to vector<16xi32>
    %shift_left3A_227 = arith.constant 2 : i32
    %shift_left3A_228 = vector.broadcast %shift_left3A_227 : i32 to vector<16xi32>
    %shift_left3A_229 = arith.shli %get3A_223, %shift_left3A_228 : vector<16xi32>
    %add3A_230 = arith.addi %shift_left3A_229, %get3A_226 : vector<16xi32>
    %lt3A_231 = arith.constant 0 : i32
    %lt3A_232 = vector.broadcast %lt3A_231 : i32 to vector<16xi32>
    %lt3A_233 = arith.cmpi slt, %add3A_230, %lt3A_232 : vector<16xi32>
    %add3A_234 = arith.constant 16 : i32
    %add3A_235 = vector.broadcast %add3A_234 : i32 to vector<16xi32>
    %add3A_236 = arith.addi %add3A_230, %add3A_235 : vector<16xi32>
    %select_n3A_237 = arith.select %lt3A_233, %add3A_236, %add3A_230 : vector<16xi1>, vector<16xi32>
    %broadcast_in_dim3A_238 = vector.shape_cast %select_n3A_237 : vector<16xi32> to vector<16x1xi32>
    %gather3A_239 = vector.shape_cast %broadcast_in_dim3A_238 : vector<16x1xi32> to vector<16xi32>
    %gather3A_240 = tpu.dynamic_gather %add3A_90[%gather3A_239] in [0] : vector<16xf32>, vector<16xi32> -> vector<16xf32>
    %swap3A_241 = arith.constant 80 : index
    %swap3A_242 = tpu.vector_load %arg7[%swap3A_241] {strides = array<i32>} : memref<1024xf32, #tpu.memory_space<vmem>>, vector<16xf32>,
    %swap3A_243 = vector.shape_cast %swap3A_242 : vector<16xf32> to vector<16xf32>
    %swap3A_244 = vector.shape_cast %gather3A_240 : vector<16xf32> to vector<16xf32>
    tpu.vector_store %arg7[%swap3A_241], %swap3A_244 {strides = array<i32>} : memref<1024xf32, #tpu.memory_space<vmem>>, vector<16xf32>,
    %get3A_245 = arith.constant 96 : index
    %get3A_246 = tpu.vector_load %arg6[%get3A_245] {strides = array<i32>} : memref<2048xi32, #tpu.memory_space<vmem>>, vector<16xi32>,
    %get3A_247 = vector.shape_cast %get3A_246 : vector<16xi32> to vector<16xi32>
    %get3A_248 = arith.constant 1120 : index
    %get3A_249 = tpu.vector_load %arg6[%get3A_248] {strides = array<i32>} : memref<2048xi32, #tpu.memory_space<vmem>>, vector<16xi32>,
    %get3A_250 = vector.shape_cast %get3A_249 : vector<16xi32> to vector<16xi32>
    %shift_left3A_251 = arith.constant 2 : i32
    %shift_left3A_252 = vector.broadcast %shift_left3A_251 : i32 to vector<16xi32>
    %shift_left3A_253 = arith.shli %get3A_247, %shift_left3A_252 : vector<16xi32>
    %add3A_254 = arith.addi %shift_left3A_253, %get3A_250 : vector<16xi32>
    %lt3A_255 = arith.constant 0 : i32
    %lt3A_256 = vector.broadcast %lt3A_255 : i32 to vector<16xi32>
    %lt3A_257 = arith.cmpi slt, %add3A_254, %lt3A_256 : vector<16xi32>
    %add3A_258 = arith.constant 16 : i32
    %add3A_259 = vector.broadcast %add3A_258 : i32 to vector<16xi32>
    %add3A_260 = arith.addi %add3A_254, %add3A_259 : vector<16xi32>
    %select_n3A_261 = arith.select %lt3A_257, %add3A_260, %add3A_254 : vector<16xi1>, vector<16xi32>
    %broadcast_in_dim3A_262 = vector.shape_cast %select_n3A_261 : vector<16xi32> to vector<16x1xi32>
    %gather3A_263 = vector.shape_cast %broadcast_in_dim3A_262 : vector<16x1xi32> to vector<16xi32>
    %gather3A_264 = tpu.dynamic_gather %add3A_90[%gather3A_263] in [0] : vector<16xf32>, vector<16xi32> -> vector<16xf32>
    %swap3A_265 = arith.constant 96 : index
    %swap3A_266 = tpu.vector_load %arg7[%swap3A_265] {strides = array<i32>} : memref<1024xf32, #tpu.memory_space<vmem>>, vector<16xf32>,
    %swap3A_267 = vector.shape_cast %swap3A_266 : vector<16xf32> to vector<16xf32>
    %swap3A_268 = vector.shape_cast %gather3A_264 : vector<16xf32> to vector<16xf32>
    tpu.vector_store %arg7[%swap3A_265], %swap3A_268 {strides = array<i32>} : memref<1024xf32, #tpu.memory_space<vmem>>, vector<16xf32>,
    %get3A_269 = arith.constant 112 : index
    %get3A_270 = tpu.vector_load %arg6[%get3A_269] {strides = array<i32>} : memref<2048xi32, #tpu.memory_space<vmem>>, vector<16xi32>,
    %get3A_271 = vector.shape_cast %get3A_270 : vector<16xi32> to vector<16xi32>
    %get3A_272 = arith.constant 1136 : index
    %get3A_273 = tpu.vector_load %arg6[%get3A_272] {strides = array<i32>} : memref<2048xi32, #tpu.memory_space<vmem>>, vector<16xi32>,
    %get3A_274 = vector.shape_cast %get3A_273 : vector<16xi32> to vector<16xi32>
    %shift_left3A_275 = arith.constant 2 : i32
    %shift_left3A_276 = vector.broadcast %shift_left3A_275 : i32 to vector<16xi32>
    %shift_left3A_277 = arith.shli %get3A_271, %shift_left3A_276 : vector<16xi32>
    %add3A_278 = arith.addi %shift_left3A_277, %get3A_274 : vector<16xi32>
    %lt3A_279 = arith.constant 0 : i32
    %lt3A_280 = vector.broadcast %lt3A_279 : i32 to vector<16xi32>
    %lt3A_281 = arith.cmpi slt, %add3A_278, %lt3A_280 : vector<16xi32>
    %add3A_282 = arith.constant 16 : i32
    %add3A_283 = vector.broadcast %add3A_282 : i32 to vector<16xi32>
    %add3A_284 = arith.addi %add3A_278, %add3A_283 : vector<16xi32>
    %select_n3A_285 = arith.select %lt3A_281, %add3A_284, %add3A_278 : vector<16xi1>, vector<16xi32>
    %broadcast_in_dim3A_286 = vector.shape_cast %select_n3A_285 : vector<16xi32> to vector<16x1xi32>
    %gather3A_287 = vector.shape_cast %broadcast_in_dim3A_286 : vector<16x1xi32> to vector<16xi32>
    %gather3A_288 = tpu.dynamic_gather %add3A_90[%gather3A_287] in [0] : vector<16xf32>, vector<16xi32> -> vector<16xf32>
    %swap3A_289 = arith.constant 112 : index
    %swap3A_290 = tpu.vector_load %arg7[%swap3A_289] {strides = array<i32>} : memref<1024xf32, #tpu.memory_space<vmem>>, vector<16xf32>,
    %swap3A_291 = vector.shape_cast %swap3A_290 : vector<16xf32> to vector<16xf32>
    %swap3A_292 = vector.shape_cast %gather3A_288 : vector<16xf32> to vector<16xf32>
    tpu.vector_store %arg7[%swap3A_289], %swap3A_292 {strides = array<i32>} : memref<1024xf32, #tpu.memory_space<vmem>>, vector<16xf32>,
    %get3A_293 = arith.constant 128 : index
    %get3A_294 = tpu.vector_load %arg6[%get3A_293] {strides = array<i32>} : memref<2048xi32, #tpu.memory_space<vmem>>, vector<16xi32>,
    %get3A_295 = vector.shape_cast %get3A_294 : vector<16xi32> to vector<16xi32>
    %get3A_296 = arith.constant 1152 : index
    %get3A_297 = tpu.vector_load %arg6[%get3A_296] {strides = array<i32>} : memref<2048xi32, #tpu.memory_space<vmem>>, vector<16xi32>,
    %get3A_298 = vector.shape_cast %get3A_297 : vector<16xi32> to vector<16xi32>
    %shift_left3A_299 = arith.constant 2 : i32
    %shift_left3A_300 = vector.broadcast %shift_left3A_299 : i32 to vector<16xi32>
    %shift_left3A_301 = arith.shli %get3A_295, %shift_left3A_300 : vector<16xi32>
    %add3A_302 = arith.addi %shift_left3A_301, %get3A_298 : vector<16xi32>
    %lt3A_303 = arith.constant 0 : i32
    %lt3A_304 = vector.broadcast %lt3A_303 : i32 to vector<16xi32>
    %lt3A_305 = arith.cmpi slt, %add3A_302, %lt3A_304 : vector<16xi32>
    %add3A_306 = arith.constant 16 : i32
    %add3A_307 = vector.broadcast %add3A_306 : i32 to vector<16xi32>
    %add3A_308 = arith.addi %add3A_302, %add3A_307 : vector<16xi32>
    %select_n3A_309 = arith.select %lt3A_305, %add3A_308, %add3A_302 : vector<16xi1>, vector<16xi32>
    %broadcast_in_dim3A_310 = vector.shape_cast %select_n3A_309 : vector<16xi32> to vector<16x1xi32>
    %gather3A_311 = vector.shape_cast %broadcast_in_dim3A_310 : vector<16x1xi32> to vector<16xi32>
    %gather3A_312 = tpu.dynamic_gather %add3A_90[%gather3A_311] in [0] : vector<16xf32>, vector<16xi32> -> vector<16xf32>
    %swap3A_313 = arith.constant 128 : index
    %swap3A_314 = tpu.vector_load %arg7[%swap3A_313] {strides = array<i32>} : memref<1024xf32, #tpu.memory_space<vmem>>, vector<16xf32>,
    %swap3A_315 = vector.shape_cast %swap3A_314 : vector<16xf32> to vector<16xf32>
    %swap3A_316 = vector.shape_cast %gather3A_312 : vector<16xf32> to vector<16xf32>
    tpu.vector_store %arg7[%swap3A_313], %swap3A_316 {strides = array<i32>} : memref<1024xf32, #tpu.memory_space<vmem>>, vector<16xf32>,
    %get3A_317 = arith.constant 144 : index
    %get3A_318 = tpu.vector_load %arg6[%get3A_317] {strides = array<i32>} : memref<2048xi32, #tpu.memory_space<vmem>>, vector<16xi32>,
    %get3A_319 = vector.shape_cast %get3A_318 : vector<16xi32> to vector<16xi32>
    %get3A_320 = arith.constant 1168 : index
    %get3A_321 = tpu.vector_load %arg6[%get3A_320] {strides = array<i32>} : memref<2048xi32, #tpu.memory_space<vmem>>, vector<16xi32>,
    %get3A_322 = vector.shape_cast %get3A_321 : vector<16xi32> to vector<16xi32>
    %shift_left3A_323 = arith.constant 2 : i32
    %shift_left3A_324 = vector.broadcast %shift_left3A_323 : i32 to vector<16xi32>
    %shift_left3A_325 = arith.shli %get3A_319, %shift_left3A_324 : vector<16xi32>
    %add3A_326 = arith.addi %shift_left3A_325, %get3A_322 : vector<16xi32>
    %lt3A_327 = arith.constant 0 : i32
    %lt3A_328 = vector.broadcast %lt3A_327 : i32 to vector<16xi32>
    %lt3A_329 = arith.cmpi slt, %add3A_326, %lt3A_328 : vector<16xi32>
    %add3A_330 = arith.constant 16 : i32
    %add3A_331 = vector.broadcast %add3A_330 : i32 to vector<16xi32>
    %add3A_332 = arith.addi %add3A_326, %add3A_331 : vector<16xi32>
    %select_n3A_333 = arith.select %lt3A_329, %add3A_332, %add3A_326 : vector<16xi1>, vector<16xi32>
    %broadcast_in_dim3A_334 = vector.shape_cast %select_n3A_333 : vector<16xi32> to vector<16x1xi32>
    %gather3A_335 = vector.shape_cast %broadcast_in_dim3A_334 : vector<16x1xi32> to vector<16xi32>
    %gather3A_336 = tpu.dynamic_gather %add3A_90[%gather3A_335] in [0] : vector<16xf32>, vector<16xi32> -> vector<16xf32>
    %swap3A_337 = arith.constant 144 : index
    %swap3A_338 = tpu.vector_load %arg7[%swap3A_337] {strides = array<i32>} : memref<1024xf32, #tpu.memory_space<vmem>>, vector<16xf32>,
    %swap3A_339 = vector.shape_cast %swap3A_338 : vector<16xf32> to vector<16xf32>
    %swap3A_340 = vector.shape_cast %gather3A_336 : vector<16xf32> to vector<16xf32>
    tpu.vector_store %arg7[%swap3A_337], %swap3A_340 {strides = array<i32>} : memref<1024xf32, #tpu.memory_space<vmem>>, vector<16xf32>,
    %get3A_341 = arith.constant 160 : index
    %get3A_342 = tpu.vector_load %arg6[%get3A_341] {strides = array<i32>} : memref<2048xi32, #tpu.memory_space<vmem>>, vector<16xi32>,
    %get3A_343 = vector.shape_cast %get3A_342 : vector<16xi32> to vector<16xi32>
    %get3A_344 = arith.constant 1184 : index
    %get3A_345 = tpu.vector_load %arg6[%get3A_344] {strides = array<i32>} : memref<2048xi32, #tpu.memory_space<vmem>>, vector<16xi32>,
    %get3A_346 = vector.shape_cast %get3A_345 : vector<16xi32> to vector<16xi32>
    %shift_left3A_347 = arith.constant 2 : i32
    %shift_left3A_348 = vector.broadcast %shift_left3A_347 : i32 to vector<16xi32>
    %shift_left3A_349 = arith.shli %get3A_343, %shift_left3A_348 : vector<16xi32>
    %add3A_350 = arith.addi %shift_left3A_349, %get3A_346 : vector<16xi32>
    %lt3A_351 = arith.constant 0 : i32
    %lt3A_352 = vector.broadcast %lt3A_351 : i32 to vector<16xi32>
    %lt3A_353 = arith.cmpi slt, %add3A_350, %lt3A_352 : vector<16xi32>
    %add3A_354 = arith.constant 16 : i32
    %add3A_355 = vector.broadcast %add3A_354 : i32 to vector<16xi32>
    %add3A_356 = arith.addi %add3A_350, %add3A_355 : vector<16xi32>
    %select_n3A_357 = arith.select %lt3A_353, %add3A_356, %add3A_350 : vector<16xi1>, vector<16xi32>
    %broadcast_in_dim3A_358 = vector.shape_cast %select_n3A_357 : vector<16xi32> to vector<16x1xi32>
    %gather3A_359 = vector.shape_cast %broadcast_in_dim3A_358 : vector<16x1xi32> to vector<16xi32>
    %gather3A_360 = tpu.dynamic_gather %add3A_90[%gather3A_359] in [0] : vector<16xf32>, vector<16xi32> -> vector<16xf32>
    %swap3A_361 = arith.constant 160 : index
    %swap3A_362 = tpu.vector_load %arg7[%swap3A_361] {strides = array<i32>} : memref<1024xf32, #tpu.memory_space<vmem>>, vector<16xf32>,
    %swap3A_363 = vector.shape_cast %swap3A_362 : vector<16xf32> to vector<16xf32>
    %swap3A_364 = vector.shape_cast %gather3A_360 : vector<16xf32> to vector<16xf32>
    tpu.vector_store %arg7[%swap3A_361], %swap3A_364 {strides = array<i32>} : memref<1024xf32, #tpu.memory_space<vmem>>, vector<16xf32>,
    %get3A_365 = arith.constant 176 : index
    %get3A_366 = tpu.vector_load %arg6[%get3A_365] {strides = array<i32>} : memref<2048xi32, #tpu.memory_space<vmem>>, vector<16xi32>,
    %get3A_367 = vector.shape_cast %get3A_366 : vector<16xi32> to vector<16xi32>
    %get3A_368 = arith.constant 1200 : index
    %get3A_369 = tpu.vector_load %arg6[%get3A_368] {strides = array<i32>} : memref<2048xi32, #tpu.memory_space<vmem>>, vector<16xi32>,
    %get3A_370 = vector.shape_cast %get3A_369 : vector<16xi32> to vector<16xi32>
    %shift_left3A_371 = arith.constant 2 : i32
    %shift_left3A_372 = vector.broadcast %shift_left3A_371 : i32 to vector<16xi32>
    %shift_left3A_373 = arith.shli %get3A_367, %shift_left3A_372 : vector<16xi32>
    %add3A_374 = arith.addi %shift_left3A_373, %get3A_370 : vector<16xi32>
    %lt3A_375 = arith.constant 0 : i32
    %lt3A_376 = vector.broadcast %lt3A_375 : i32 to vector<16xi32>
    %lt3A_377 = arith.cmpi slt, %add3A_374, %lt3A_376 : vector<16xi32>
    %add3A_378 = arith.constant 16 : i32
    %add3A_379 = vector.broadcast %add3A_378 : i32 to vector<16xi32>
    %add3A_380 = arith.addi %add3A_374, %add3A_379 : vector<16xi32>
    %select_n3A_381 = arith.select %lt3A_377, %add3A_380, %add3A_374 : vector<16xi1>, vector<16xi32>
    %broadcast_in_dim3A_382 = vector.shape_cast %select_n3A_381 : vector<16xi32> to vector<16x1xi32>
    %gather3A_383 = vector.shape_cast %broadcast_in_dim3A_382 : vector<16x1xi32> to vector<16xi32>
    %gather3A_384 = tpu.dynamic_gather %add3A_90[%gather3A_383] in [0] : vector<16xf32>, vector<16xi32> -> vector<16xf32>
    %swap3A_385 = arith.constant 176 : index
    %swap3A_386 = tpu.vector_load %arg7[%swap3A_385] {strides = array<i32>} : memref<1024xf32, #tpu.memory_space<vmem>>, vector<16xf32>,
    %swap3A_387 = vector.shape_cast %swap3A_386 : vector<16xf32> to vector<16xf32>
    %swap3A_388 = vector.shape_cast %gather3A_384 : vector<16xf32> to vector<16xf32>
    tpu.vector_store %arg7[%swap3A_385], %swap3A_388 {strides = array<i32>} : memref<1024xf32, #tpu.memory_space<vmem>>, vector<16xf32>,
    %get3A_389 = arith.constant 192 : index
    %get3A_390 = tpu.vector_load %arg6[%get3A_389] {strides = array<i32>} : memref<2048xi32, #tpu.memory_space<vmem>>, vector<16xi32>,
    %get3A_391 = vector.shape_cast %get3A_390 : vector<16xi32> to vector<16xi32>
    %get3A_392 = arith.constant 1216 : index
    %get3A_393 = tpu.vector_load %arg6[%get3A_392] {strides = array<i32>} : memref<2048xi32, #tpu.memory_space<vmem>>, vector<16xi32>,
    %get3A_394 = vector.shape_cast %get3A_393 : vector<16xi32> to vector<16xi32>
    %shift_left3A_395 = arith.constant 2 : i32
    %shift_left3A_396 = vector.broadcast %shift_left3A_395 : i32 to vector<16xi32>
    %shift_left3A_397 = arith.shli %get3A_391, %shift_left3A_396 : vector<16xi32>
    %add3A_398 = arith.addi %shift_left3A_397, %get3A_394 : vector<16xi32>
    %lt3A_399 = arith.constant 0 : i32
    %lt3A_400 = vector.broadcast %lt3A_399 : i32 to vector<16xi32>
    %lt3A_401 = arith.cmpi slt, %add3A_398, %lt3A_400 : vector<16xi32>
    %add3A_402 = arith.constant 16 : i32
    %add3A_403 = vector.broadcast %add3A_402 : i32 to vector<16xi32>
    %add3A_404 = arith.addi %add3A_398, %add3A_403 : vector<16xi32>
    %select_n3A_405 = arith.select %lt3A_401, %add3A_404, %add3A_398 : vector<16xi1>, vector<16xi32>
    %broadcast_in_dim3A_406 = vector.shape_cast %select_n3A_405 : vector<16xi32> to vector<16x1xi32>
    %gather3A_407 = vector.shape_cast %broadcast_in_dim3A_406 : vector<16x1xi32> to vector<16xi32>
    %gather3A_408 = tpu.dynamic_gather %add3A_90[%gather3A_407] in [0] : vector<16xf32>, vector<16xi32> -> vector<16xf32>
    %swap3A_409 = arith.constant 192 : index
    %swap3A_410 = tpu.vector_load %arg7[%swap3A_409] {strides = array<i32>} : memref<1024xf32, #tpu.memory_space<vmem>>, vector<16xf32>,
    %swap3A_411 = vector.shape_cast %swap3A_410 : vector<16xf32> to vector<16xf32>
    %swap3A_412 = vector.shape_cast %gather3A_408 : vector<16xf32> to vector<16xf32>
    tpu.vector_store %arg7[%swap3A_409], %swap3A_412 {strides = array<i32>} : memref<1024xf32, #tpu.memory_space<vmem>>, vector<16xf32>,
    %get3A_413 = arith.constant 208 : index
    %get3A_414 = tpu.vector_load %arg6[%get3A_413] {strides = array<i32>} : memref<2048xi32, #tpu.memory_space<vmem>>, vector<16xi32>,
    %get3A_415 = vector.shape_cast %get3A_414 : vector<16xi32> to vector<16xi32>
    %get3A_416 = arith.constant 1232 : index
    %get3A_417 = tpu.vector_load %arg6[%get3A_416] {strides = array<i32>} : memref<2048xi32, #tpu.memory_space<vmem>>, vector<16xi32>,
    %get3A_418 = vector.shape_cast %get3A_417 : vector<16xi32> to vector<16xi32>
    %shift_left3A_419 = arith.constant 2 : i32
    %shift_left3A_420 = vector.broadcast %shift_left3A_419 : i32 to vector<16xi32>
    %shift_left3A_421 = arith.shli %get3A_415, %shift_left3A_420 : vector<16xi32>
    %add3A_422 = arith.addi %shift_left3A_421, %get3A_418 : vector<16xi32>
    %lt3A_423 = arith.constant 0 : i32
    %lt3A_424 = vector.broadcast %lt3A_423 : i32 to vector<16xi32>
    %lt3A_425 = arith.cmpi slt, %add3A_422, %lt3A_424 : vector<16xi32>
    %add3A_426 = arith.constant 16 : i32
    %add3A_427 = vector.broadcast %add3A_426 : i32 to vector<16xi32>
    %add3A_428 = arith.addi %add3A_422, %add3A_427 : vector<16xi32>
    %select_n3A_429 = arith.select %lt3A_425, %add3A_428, %add3A_422 : vector<16xi1>, vector<16xi32>
    %broadcast_in_dim3A_430 = vector.shape_cast %select_n3A_429 : vector<16xi32> to vector<16x1xi32>
    %gather3A_431 = vector.shape_cast %broadcast_in_dim3A_430 : vector<16x1xi32> to vector<16xi32>
    %gather3A_432 = tpu.dynamic_gather %add3A_90[%gather3A_431] in [0] : vector<16xf32>, vector<16xi32> -> vector<16xf32>
    %swap3A_433 = arith.constant 208 : index
    %swap3A_434 = tpu.vector_load %arg7[%swap3A_433] {strides = array<i32>} : memref<1024xf32, #tpu.memory_space<vmem>>, vector<16xf32>,
    %swap3A_435 = vector.shape_cast %swap3A_434 : vector<16xf32> to vector<16xf32>
    %swap3A_436 = vector.shape_cast %gather3A_432 : vector<16xf32> to vector<16xf32>
    tpu.vector_store %arg7[%swap3A_433], %swap3A_436 {strides = array<i32>} : memref<1024xf32, #tpu.memory_space<vmem>>, vector<16xf32>,
    %get3A_437 = arith.constant 224 : index
    %get3A_438 = tpu.vector_load %arg6[%get3A_437] {strides = array<i32>} : memref<2048xi32, #tpu.memory_space<vmem>>, vector<16xi32>,
    %get3A_439 = vector.shape_cast %get3A_438 : vector<16xi32> to vector<16xi32>
    %get3A_440 = arith.constant 1248 : index
    %get3A_441 = tpu.vector_load %arg6[%get3A_440] {strides = array<i32>} : memref<2048xi32, #tpu.memory_space<vmem>>, vector<16xi32>,
    %get3A_442 = vector.shape_cast %get3A_441 : vector<16xi32> to vector<16xi32>
    %shift_left3A_443 = arith.constant 2 : i32
    %shift_left3A_444 = vector.broadcast %shift_left3A_443 : i32 to vector<16xi32>
    %shift_left3A_445 = arith.shli %get3A_439, %shift_left3A_444 : vector<16xi32>
    %add3A_446 = arith.addi %shift_left3A_445, %get3A_442 : vector<16xi32>
    %lt3A_447 = arith.constant 0 : i32
    %lt3A_448 = vector.broadcast %lt3A_447 : i32 to vector<16xi32>
    %lt3A_449 = arith.cmpi slt, %add3A_446, %lt3A_448 : vector<16xi32>
    %add3A_450 = arith.constant 16 : i32
    %add3A_451 = vector.broadcast %add3A_450 : i32 to vector<16xi32>
    %add3A_452 = arith.addi %add3A_446, %add3A_451 : vector<16xi32>
    %select_n3A_453 = arith.select %lt3A_449, %add3A_452, %add3A_446 : vector<16xi1>, vector<16xi32>
    %broadcast_in_dim3A_454 = vector.shape_cast %select_n3A_453 : vector<16xi32> to vector<16x1xi32>
    %gather3A_455 = vector.shape_cast %broadcast_in_dim3A_454 : vector<16x1xi32> to vector<16xi32>
    %gather3A_456 = tpu.dynamic_gather %add3A_90[%gather3A_455] in [0] : vector<16xf32>, vector<16xi32> -> vector<16xf32>
    %swap3A_457 = arith.constant 224 : index
    %swap3A_458 = tpu.vector_load %arg7[%swap3A_457] {strides = array<i32>} : memref<1024xf32, #tpu.memory_space<vmem>>, vector<16xf32>,
    %swap3A_459 = vector.shape_cast %swap3A_458 : vector<16xf32> to vector<16xf32>
    %swap3A_460 = vector.shape_cast %gather3A_456 : vector<16xf32> to vector<16xf32>
    tpu.vector_store %arg7[%swap3A_457], %swap3A_460 {strides = array<i32>} : memref<1024xf32, #tpu.memory_space<vmem>>, vector<16xf32>,
    %get3A_461 = arith.constant 240 : index
    %get3A_462 = tpu.vector_load %arg6[%get3A_461] {strides = array<i32>} : memref<2048xi32, #tpu.memory_space<vmem>>, vector<16xi32>,
    %get3A_463 = vector.shape_cast %get3A_462 : vector<16xi32> to vector<16xi32>
    %get3A_464 = arith.constant 1264 : index
    %get3A_465 = tpu.vector_load %arg6[%get3A_464] {strides = array<i32>} : memref<2048xi32, #tpu.memory_space<vmem>>, vector<16xi32>,
    %get3A_466 = vector.shape_cast %get3A_465 : vector<16xi32> to vector<16xi32>
    %shift_left3A_467 = arith.constant 2 : i32
    %shift_left3A_468 = vector.broadcast %shift_left3A_467 : i32 to vector<16xi32>
    %shift_left3A_469 = arith.shli %get3A_463, %shift_left3A_468 : vector<16xi32>
    %add3A_470 = arith.addi %shift_left3A_469, %get3A_466 : vector<16xi32>
    %lt3A_471 = arith.constant 0 : i32
    %lt3A_472 = vector.broadcast %lt3A_471 : i32 to vector<16xi32>
    %lt3A_473 = arith.cmpi slt, %add3A_470, %lt3A_472 : vector<16xi32>
    %add3A_474 = arith.constant 16 : i32
    %add3A_475 = vector.broadcast %add3A_474 : i32 to vector<16xi32>
    %add3A_476 = arith.addi %add3A_470, %add3A_475 : vector<16xi32>
    %select_n3A_477 = arith.select %lt3A_473, %add3A_476, %add3A_470 : vector<16xi1>, vector<16xi32>
    %broadcast_in_dim3A_478 = vector.shape_cast %select_n3A_477 : vector<16xi32> to vector<16x1xi32>
    %gather3A_479 = vector.shape_cast %broadcast_in_dim3A_478 : vector<16x1xi32> to vector<16xi32>
    %gather3A_480 = tpu.dynamic_gather %add3A_90[%gather3A_479] in [0] : vector<16xf32>, vector<16xi32> -> vector<16xf32>
    %swap3A_481 = arith.constant 240 : index
    %swap3A_482 = tpu.vector_load %arg7[%swap3A_481] {strides = array<i32>} : memref<1024xf32, #tpu.memory_space<vmem>>, vector<16xf32>,
    %swap3A_483 = vector.shape_cast %swap3A_482 : vector<16xf32> to vector<16xf32>
    %swap3A_484 = vector.shape_cast %gather3A_480 : vector<16xf32> to vector<16xf32>
    tpu.vector_store %arg7[%swap3A_481], %swap3A_484 {strides = array<i32>} : memref<1024xf32, #tpu.memory_space<vmem>>, vector<16xf32>,
    %get3A_485 = arith.constant 256 : index
    %get3A_486 = tpu.vector_load %arg6[%get3A_485] {strides = array<i32>} : memref<2048xi32, #tpu.memory_space<vmem>>, vector<16xi32>,
    %get3A_487 = vector.shape_cast %get3A_486 : vector<16xi32> to vector<16xi32>
    %get3A_488 = arith.constant 1280 : index
    %get3A_489 = tpu.vector_load %arg6[%get3A_488] {strides = array<i32>} : memref<2048xi32, #tpu.memory_space<vmem>>, vector<16xi32>,
    %get3A_490 = vector.shape_cast %get3A_489 : vector<16xi32> to vector<16xi32>
    %shift_left3A_491 = arith.constant 2 : i32
    %shift_left3A_492 = vector.broadcast %shift_left3A_491 : i32 to vector<16xi32>
    %shift_left3A_493 = arith.shli %get3A_487, %shift_left3A_492 : vector<16xi32>
    %add3A_494 = arith.addi %shift_left3A_493, %get3A_490 : vector<16xi32>
    %lt3A_495 = arith.constant 0 : i32
    %lt3A_496 = vector.broadcast %lt3A_495 : i32 to vector<16xi32>
    %lt3A_497 = arith.cmpi slt, %add3A_494, %lt3A_496 : vector<16xi32>
    %add3A_498 = arith.constant 16 : i32
    %add3A_499 = vector.broadcast %add3A_498 : i32 to vector<16xi32>
    %add3A_500 = arith.addi %add3A_494, %add3A_499 : vector<16xi32>
    %select_n3A_501 = arith.select %lt3A_497, %add3A_500, %add3A_494 : vector<16xi1>, vector<16xi32>
    %broadcast_in_dim3A_502 = vector.shape_cast %select_n3A_501 : vector<16xi32> to vector<16x1xi32>
    %gather3A_503 = vector.shape_cast %broadcast_in_dim3A_502 : vector<16x1xi32> to vector<16xi32>
    %gather3A_504 = tpu.dynamic_gather %add3A_90[%gather3A_503] in [0] : vector<16xf32>, vector<16xi32> -> vector<16xf32>
    %swap3A_505 = arith.constant 256 : index
    %swap3A_506 = tpu.vector_load %arg7[%swap3A_505] {strides = array<i32>} : memref<1024xf32, #tpu.memory_space<vmem>>, vector<16xf32>,
    %swap3A_507 = vector.shape_cast %swap3A_506 : vector<16xf32> to vector<16xf32>
    %swap3A_508 = vector.shape_cast %gather3A_504 : vector<16xf32> to vector<16xf32>
    tpu.vector_store %arg7[%swap3A_505], %swap3A_508 {strides = array<i32>} : memref<1024xf32, #tpu.memory_space<vmem>>, vector<16xf32>,
    %get3A_509 = arith.constant 272 : index
    %get3A_510 = tpu.vector_load %arg6[%get3A_509] {strides = array<i32>} : memref<2048xi32, #tpu.memory_space<vmem>>, vector<16xi32>,
    %get3A_511 = vector.shape_cast %get3A_510 : vector<16xi32> to vector<16xi32>
    %get3A_512 = arith.constant 1296 : index
    %get3A_513 = tpu.vector_load %arg6[%get3A_512] {strides = array<i32>} : memref<2048xi32, #tpu.memory_space<vmem>>, vector<16xi32>,
    %get3A_514 = vector.shape_cast %get3A_513 : vector<16xi32> to vector<16xi32>
    %shift_left3A_515 = arith.constant 2 : i32
    %shift_left3A_516 = vector.broadcast %shift_left3A_515 : i32 to vector<16xi32>
    %shift_left3A_517 = arith.shli %get3A_511, %shift_left3A_516 : vector<16xi32>
    %add3A_518 = arith.addi %shift_left3A_517, %get3A_514 : vector<16xi32>
    %lt3A_519 = arith.constant 0 : i32
    %lt3A_520 = vector.broadcast %lt3A_519 : i32 to vector<16xi32>
    %lt3A_521 = arith.cmpi slt, %add3A_518, %lt3A_520 : vector<16xi32>
    %add3A_522 = arith.constant 16 : i32
    %add3A_523 = vector.broadcast %add3A_522 : i32 to vector<16xi32>
    %add3A_524 = arith.addi %add3A_518, %add3A_523 : vector<16xi32>
    %select_n3A_525 = arith.select %lt3A_521, %add3A_524, %add3A_518 : vector<16xi1>, vector<16xi32>
    %broadcast_in_dim3A_526 = vector.shape_cast %select_n3A_525 : vector<16xi32> to vector<16x1xi32>
    %gather3A_527 = vector.shape_cast %broadcast_in_dim3A_526 : vector<16x1xi32> to vector<16xi32>
    %gather3A_528 = tpu.dynamic_gather %add3A_90[%gather3A_527] in [0] : vector<16xf32>, vector<16xi32> -> vector<16xf32>
    %swap3A_529 = arith.constant 272 : index
    %swap3A_530 = tpu.vector_load %arg7[%swap3A_529] {strides = array<i32>} : memref<1024xf32, #tpu.memory_space<vmem>>, vector<16xf32>,
    %swap3A_531 = vector.shape_cast %swap3A_530 : vector<16xf32> to vector<16xf32>
    %swap3A_532 = vector.shape_cast %gather3A_528 : vector<16xf32> to vector<16xf32>
    tpu.vector_store %arg7[%swap3A_529], %swap3A_532 {strides = array<i32>} : memref<1024xf32, #tpu.memory_space<vmem>>, vector<16xf32>,
    %get3A_533 = arith.constant 288 : index
    %get3A_534 = tpu.vector_load %arg6[%get3A_533] {strides = array<i32>} : memref<2048xi32, #tpu.memory_space<vmem>>, vector<16xi32>,
    %get3A_535 = vector.shape_cast %get3A_534 : vector<16xi32> to vector<16xi32>
    %get3A_536 = arith.constant 1312 : index
    %get3A_537 = tpu.vector_load %arg6[%get3A_536] {strides = array<i32>} : memref<2048xi32, #tpu.memory_space<vmem>>, vector<16xi32>,
    %get3A_538 = vector.shape_cast %get3A_537 : vector<16xi32> to vector<16xi32>
    %shift_left3A_539 = arith.constant 2 : i32
    %shift_left3A_540 = vector.broadcast %shift_left3A_539 : i32 to vector<16xi32>
    %shift_left3A_541 = arith.shli %get3A_535, %shift_left3A_540 : vector<16xi32>
    %add3A_542 = arith.addi %shift_left3A_541, %get3A_538 : vector<16xi32>
    %lt3A_543 = arith.constant 0 : i32
    %lt3A_544 = vector.broadcast %lt3A_543 : i32 to vector<16xi32>
    %lt3A_545 = arith.cmpi slt, %add3A_542, %lt3A_544 : vector<16xi32>
    %add3A_546 = arith.constant 16 : i32
    %add3A_547 = vector.broadcast %add3A_546 : i32 to vector<16xi32>
    %add3A_548 = arith.addi %add3A_542, %add3A_547 : vector<16xi32>
    %select_n3A_549 = arith.select %lt3A_545, %add3A_548, %add3A_542 : vector<16xi1>, vector<16xi32>
    %broadcast_in_dim3A_550 = vector.shape_cast %select_n3A_549 : vector<16xi32> to vector<16x1xi32>
    %gather3A_551 = vector.shape_cast %broadcast_in_dim3A_550 : vector<16x1xi32> to vector<16xi32>
    %gather3A_552 = tpu.dynamic_gather %add3A_90[%gather3A_551] in [0] : vector<16xf32>, vector<16xi32> -> vector<16xf32>
    %swap3A_553 = arith.constant 288 : index
    %swap3A_554 = tpu.vector_load %arg7[%swap3A_553] {strides = array<i32>} : memref<1024xf32, #tpu.memory_space<vmem>>, vector<16xf32>,
    %swap3A_555 = vector.shape_cast %swap3A_554 : vector<16xf32> to vector<16xf32>
    %swap3A_556 = vector.shape_cast %gather3A_552 : vector<16xf32> to vector<16xf32>
    tpu.vector_store %arg7[%swap3A_553], %swap3A_556 {strides = array<i32>} : memref<1024xf32, #tpu.memory_space<vmem>>, vector<16xf32>,
    %get3A_557 = arith.constant 304 : index
    %get3A_558 = tpu.vector_load %arg6[%get3A_557] {strides = array<i32>} : memref<2048xi32, #tpu.memory_space<vmem>>, vector<16xi32>,
    %get3A_559 = vector.shape_cast %get3A_558 : vector<16xi32> to vector<16xi32>
    %get3A_560 = arith.constant 1328 : index
    %get3A_561 = tpu.vector_load %arg6[%get3A_560] {strides = array<i32>} : memref<2048xi32, #tpu.memory_space<vmem>>, vector<16xi32>,
    %get3A_562 = vector.shape_cast %get3A_561 : vector<16xi32> to vector<16xi32>
    %shift_left3A_563 = arith.constant 2 : i32
    %shift_left3A_564 = vector.broadcast %shift_left3A_563 : i32 to vector<16xi32>
    %shift_left3A_565 = arith.shli %get3A_559, %shift_left3A_564 : vector<16xi32>
    %add3A_566 = arith.addi %shift_left3A_565, %get3A_562 : vector<16xi32>
    %lt3A_567 = arith.constant 0 : i32
    %lt3A_568 = vector.broadcast %lt3A_567 : i32 to vector<16xi32>
    %lt3A_569 = arith.cmpi slt, %add3A_566, %lt3A_568 : vector<16xi32>
    %add3A_570 = arith.constant 16 : i32
    %add3A_571 = vector.broadcast %add3A_570 : i32 to vector<16xi32>
    %add3A_572 = arith.addi %add3A_566, %add3A_571 : vector<16xi32>
    %select_n3A_573 = arith.select %lt3A_569, %add3A_572, %add3A_566 : vector<16xi1>, vector<16xi32>
    %broadcast_in_dim3A_574 = vector.shape_cast %select_n3A_573 : vector<16xi32> to vector<16x1xi32>
    %gather3A_575 = vector.shape_cast %broadcast_in_dim3A_574 : vector<16x1xi32> to vector<16xi32>
    %gather3A_576 = tpu.dynamic_gather %add3A_90[%gather3A_575] in [0] : vector<16xf32>, vector<16xi32> -> vector<16xf32>
    %swap3A_577 = arith.constant 304 : index
    %swap3A_578 = tpu.vector_load %arg7[%swap3A_577] {strides = array<i32>} : memref<1024xf32, #tpu.memory_space<vmem>>, vector<16xf32>,
    %swap3A_579 = vector.shape_cast %swap3A_578 : vector<16xf32> to vector<16xf32>
    %swap3A_580 = vector.shape_cast %gather3A_576 : vector<16xf32> to vector<16xf32>
    tpu.vector_store %arg7[%swap3A_577], %swap3A_580 {strides = array<i32>} : memref<1024xf32, #tpu.memory_space<vmem>>, vector<16xf32>,
    %get3A_581 = arith.constant 320 : index
    %get3A_582 = tpu.vector_load %arg6[%get3A_581] {strides = array<i32>} : memref<2048xi32, #tpu.memory_space<vmem>>, vector<16xi32>,
    %get3A_583 = vector.shape_cast %get3A_582 : vector<16xi32> to vector<16xi32>
    %get3A_584 = arith.constant 1344 : index
    %get3A_585 = tpu.vector_load %arg6[%get3A_584] {strides = array<i32>} : memref<2048xi32, #tpu.memory_space<vmem>>, vector<16xi32>,
    %get3A_586 = vector.shape_cast %get3A_585 : vector<16xi32> to vector<16xi32>
    %shift_left3A_587 = arith.constant 2 : i32
    %shift_left3A_588 = vector.broadcast %shift_left3A_587 : i32 to vector<16xi32>
    %shift_left3A_589 = arith.shli %get3A_583, %shift_left3A_588 : vector<16xi32>
    %add3A_590 = arith.addi %shift_left3A_589, %get3A_586 : vector<16xi32>
    %lt3A_591 = arith.constant 0 : i32
    %lt3A_592 = vector.broadcast %lt3A_591 : i32 to vector<16xi32>
    %lt3A_593 = arith.cmpi slt, %add3A_590, %lt3A_592 : vector<16xi32>
    %add3A_594 = arith.constant 16 : i32
    %add3A_595 = vector.broadcast %add3A_594 : i32 to vector<16xi32>
    %add3A_596 = arith.addi %add3A_590, %add3A_595 : vector<16xi32>
    %select_n3A_597 = arith.select %lt3A_593, %add3A_596, %add3A_590 : vector<16xi1>, vector<16xi32>
    %broadcast_in_dim3A_598 = vector.shape_cast %select_n3A_597 : vector<16xi32> to vector<16x1xi32>
    %gather3A_599 = vector.shape_cast %broadcast_in_dim3A_598 : vector<16x1xi32> to vector<16xi32>
    %gather3A_600 = tpu.dynamic_gather %add3A_90[%gather3A_599] in [0] : vector<16xf32>, vector<16xi32> -> vector<16xf32>
    %swap3A_601 = arith.constant 320 : index
    %swap3A_602 = tpu.vector_load %arg7[%swap3A_601] {strides = array<i32>} : memref<1024xf32, #tpu.memory_space<vmem>>, vector<16xf32>,
    %swap3A_603 = vector.shape_cast %swap3A_602 : vector<16xf32> to vector<16xf32>
    %swap3A_604 = vector.shape_cast %gather3A_600 : vector<16xf32> to vector<16xf32>
    tpu.vector_store %arg7[%swap3A_601], %swap3A_604 {strides = array<i32>} : memref<1024xf32, #tpu.memory_space<vmem>>, vector<16xf32>,
    %get3A_605 = arith.constant 336 : index
    %get3A_606 = tpu.vector_load %arg6[%get3A_605] {strides = array<i32>} : memref<2048xi32, #tpu.memory_space<vmem>>, vector<16xi32>,
    %get3A_607 = vector.shape_cast %get3A_606 : vector<16xi32> to vector<16xi32>
    %get3A_608 = arith.constant 1360 : index
    %get3A_609 = tpu.vector_load %arg6[%get3A_608] {strides = array<i32>} : memref<2048xi32, #tpu.memory_space<vmem>>, vector<16xi32>,
    %get3A_610 = vector.shape_cast %get3A_609 : vector<16xi32> to vector<16xi32>
    %shift_left3A_611 = arith.constant 2 : i32
    %shift_left3A_612 = vector.broadcast %shift_left3A_611 : i32 to vector<16xi32>
    %shift_left3A_613 = arith.shli %get3A_607, %shift_left3A_612 : vector<16xi32>
    %add3A_614 = arith.addi %shift_left3A_613, %get3A_610 : vector<16xi32>
    %lt3A_615 = arith.constant 0 : i32
    %lt3A_616 = vector.broadcast %lt3A_615 : i32 to vector<16xi32>
    %lt3A_617 = arith.cmpi slt, %add3A_614, %lt3A_616 : vector<16xi32>
    %add3A_618 = arith.constant 16 : i32
    %add3A_619 = vector.broadcast %add3A_618 : i32 to vector<16xi32>
    %add3A_620 = arith.addi %add3A_614, %add3A_619 : vector<16xi32>
    %select_n3A_621 = arith.select %lt3A_617, %add3A_620, %add3A_614 : vector<16xi1>, vector<16xi32>
    %broadcast_in_dim3A_622 = vector.shape_cast %select_n3A_621 : vector<16xi32> to vector<16x1xi32>
    %gather3A_623 = vector.shape_cast %broadcast_in_dim3A_622 : vector<16x1xi32> to vector<16xi32>
    %gather3A_624 = tpu.dynamic_gather %add3A_90[%gather3A_623] in [0] : vector<16xf32>, vector<16xi32> -> vector<16xf32>
    %swap3A_625 = arith.constant 336 : index
    %swap3A_626 = tpu.vector_load %arg7[%swap3A_625] {strides = array<i32>} : memref<1024xf32, #tpu.memory_space<vmem>>, vector<16xf32>,
    %swap3A_627 = vector.shape_cast %swap3A_626 : vector<16xf32> to vector<16xf32>
    %swap3A_628 = vector.shape_cast %gather3A_624 : vector<16xf32> to vector<16xf32>
    tpu.vector_store %arg7[%swap3A_625], %swap3A_628 {strides = array<i32>} : memref<1024xf32, #tpu.memory_space<vmem>>, vector<16xf32>,
    %get3A_629 = arith.constant 352 : index
    %get3A_630 = tpu.vector_load %arg6[%get3A_629] {strides = array<i32>} : memref<2048xi32, #tpu.memory_space<vmem>>, vector<16xi32>,
    %get3A_631 = vector.shape_cast %get3A_630 : vector<16xi32> to vector<16xi32>
    %get3A_632 = arith.constant 1376 : index
    %get3A_633 = tpu.vector_load %arg6[%get3A_632] {strides = array<i32>} : memref<2048xi32, #tpu.memory_space<vmem>>, vector<16xi32>,
    %get3A_634 = vector.shape_cast %get3A_633 : vector<16xi32> to vector<16xi32>
    %shift_left3A_635 = arith.constant 2 : i32
    %shift_left3A_636 = vector.broadcast %shift_left3A_635 : i32 to vector<16xi32>
    %shift_left3A_637 = arith.shli %get3A_631, %shift_left3A_636 : vector<16xi32>
    %add3A_638 = arith.addi %shift_left3A_637, %get3A_634 : vector<16xi32>
    %lt3A_639 = arith.constant 0 : i32
    %lt3A_640 = vector.broadcast %lt3A_639 : i32 to vector<16xi32>
    %lt3A_641 = arith.cmpi slt, %add3A_638, %lt3A_640 : vector<16xi32>
    %add3A_642 = arith.constant 16 : i32
    %add3A_643 = vector.broadcast %add3A_642 : i32 to vector<16xi32>
    %add3A_644 = arith.addi %add3A_638, %add3A_643 : vector<16xi32>
    %select_n3A_645 = arith.select %lt3A_641, %add3A_644, %add3A_638 : vector<16xi1>, vector<16xi32>
    %broadcast_in_dim3A_646 = vector.shape_cast %select_n3A_645 : vector<16xi32> to vector<16x1xi32>
    %gather3A_647 = vector.shape_cast %broadcast_in_dim3A_646 : vector<16x1xi32> to vector<16xi32>
    %gather3A_648 = tpu.dynamic_gather %add3A_90[%gather3A_647] in [0] : vector<16xf32>, vector<16xi32> -> vector<16xf32>
    %swap3A_649 = arith.constant 352 : index
    %swap3A_650 = tpu.vector_load %arg7[%swap3A_649] {strides = array<i32>} : memref<1024xf32, #tpu.memory_space<vmem>>, vector<16xf32>,
    %swap3A_651 = vector.shape_cast %swap3A_650 : vector<16xf32> to vector<16xf32>
    %swap3A_652 = vector.shape_cast %gather3A_648 : vector<16xf32> to vector<16xf32>
    tpu.vector_store %arg7[%swap3A_649], %swap3A_652 {strides = array<i32>} : memref<1024xf32, #tpu.memory_space<vmem>>, vector<16xf32>,
    %get3A_653 = arith.constant 368 : index
    %get3A_654 = tpu.vector_load %arg6[%get3A_653] {strides = array<i32>} : memref<2048xi32, #tpu.memory_space<vmem>>, vector<16xi32>,
    %get3A_655 = vector.shape_cast %get3A_654 : vector<16xi32> to vector<16xi32>
    %get3A_656 = arith.constant 1392 : index
    %get3A_657 = tpu.vector_load %arg6[%get3A_656] {strides = array<i32>} : memref<2048xi32, #tpu.memory_space<vmem>>, vector<16xi32>,
    %get3A_658 = vector.shape_cast %get3A_657 : vector<16xi32> to vector<16xi32>
    %shift_left3A_659 = arith.constant 2 : i32
    %shift_left3A_660 = vector.broadcast %shift_left3A_659 : i32 to vector<16xi32>
    %shift_left3A_661 = arith.shli %get3A_655, %shift_left3A_660 : vector<16xi32>
    %add3A_662 = arith.addi %shift_left3A_661, %get3A_658 : vector<16xi32>
    %lt3A_663 = arith.constant 0 : i32
    %lt3A_664 = vector.broadcast %lt3A_663 : i32 to vector<16xi32>
    %lt3A_665 = arith.cmpi slt, %add3A_662, %lt3A_664 : vector<16xi32>
    %add3A_666 = arith.constant 16 : i32
    %add3A_667 = vector.broadcast %add3A_666 : i32 to vector<16xi32>
    %add3A_668 = arith.addi %add3A_662, %add3A_667 : vector<16xi32>
    %select_n3A_669 = arith.select %lt3A_665, %add3A_668, %add3A_662 : vector<16xi1>, vector<16xi32>
    %broadcast_in_dim3A_670 = vector.shape_cast %select_n3A_669 : vector<16xi32> to vector<16x1xi32>
    %gather3A_671 = vector.shape_cast %broadcast_in_dim3A_670 : vector<16x1xi32> to vector<16xi32>
    %gather3A_672 = tpu.dynamic_gather %add3A_90[%gather3A_671] in [0] : vector<16xf32>, vector<16xi32> -> vector<16xf32>
    %swap3A_673 = arith.constant 368 : index
    %swap3A_674 = tpu.vector_load %arg7[%swap3A_673] {strides = array<i32>} : memref<1024xf32, #tpu.memory_space<vmem>>, vector<16xf32>,
    %swap3A_675 = vector.shape_cast %swap3A_674 : vector<16xf32> to vector<16xf32>
    %swap3A_676 = vector.shape_cast %gather3A_672 : vector<16xf32> to vector<16xf32>
    tpu.vector_store %arg7[%swap3A_673], %swap3A_676 {strides = array<i32>} : memref<1024xf32, #tpu.memory_space<vmem>>, vector<16xf32>,
    %get3A_677 = arith.constant 384 : index
    %get3A_678 = tpu.vector_load %arg6[%get3A_677] {strides = array<i32>} : memref<2048xi32, #tpu.memory_space<vmem>>, vector<16xi32>,
    %get3A_679 = vector.shape_cast %get3A_678 : vector<16xi32> to vector<16xi32>
    %get3A_680 = arith.constant 1408 : index
    %get3A_681 = tpu.vector_load %arg6[%get3A_680] {strides = array<i32>} : memref<2048xi32, #tpu.memory_space<vmem>>, vector<16xi32>,
    %get3A_682 = vector.shape_cast %get3A_681 : vector<16xi32> to vector<16xi32>
    %shift_left3A_683 = arith.constant 2 : i32
    %shift_left3A_684 = vector.broadcast %shift_left3A_683 : i32 to vector<16xi32>
    %shift_left3A_685 = arith.shli %get3A_679, %shift_left3A_684 : vector<16xi32>
    %add3A_686 = arith.addi %shift_left3A_685, %get3A_682 : vector<16xi32>
    %lt3A_687 = arith.constant 0 : i32
    %lt3A_688 = vector.broadcast %lt3A_687 : i32 to vector<16xi32>
    %lt3A_689 = arith.cmpi slt, %add3A_686, %lt3A_688 : vector<16xi32>
    %add3A_690 = arith.constant 16 : i32
    %add3A_691 = vector.broadcast %add3A_690 : i32 to vector<16xi32>
    %add3A_692 = arith.addi %add3A_686, %add3A_691 : vector<16xi32>
    %select_n3A_693 = arith.select %lt3A_689, %add3A_692, %add3A_686 : vector<16xi1>, vector<16xi32>
    %broadcast_in_dim3A_694 = vector.shape_cast %select_n3A_693 : vector<16xi32> to vector<16x1xi32>
    %gather3A_695 = vector.shape_cast %broadcast_in_dim3A_694 : vector<16x1xi32> to vector<16xi32>
    %gather3A_696 = tpu.dynamic_gather %add3A_90[%gather3A_695] in [0] : vector<16xf32>, vector<16xi32> -> vector<16xf32>
    %swap3A_697 = arith.constant 384 : index
    %swap3A_698 = tpu.vector_load %arg7[%swap3A_697] {strides = array<i32>} : memref<1024xf32, #tpu.memory_space<vmem>>, vector<16xf32>,
    %swap3A_699 = vector.shape_cast %swap3A_698 : vector<16xf32> to vector<16xf32>
    %swap3A_700 = vector.shape_cast %gather3A_696 : vector<16xf32> to vector<16xf32>
    tpu.vector_store %arg7[%swap3A_697], %swap3A_700 {strides = array<i32>} : memref<1024xf32, #tpu.memory_space<vmem>>, vector<16xf32>,
    %get3A_701 = arith.constant 400 : index
    %get3A_702 = tpu.vector_load %arg6[%get3A_701] {strides = array<i32>} : memref<2048xi32, #tpu.memory_space<vmem>>, vector<16xi32>,
    %get3A_703 = vector.shape_cast %get3A_702 : vector<16xi32> to vector<16xi32>
    %get3A_704 = arith.constant 1424 : index
    %get3A_705 = tpu.vector_load %arg6[%get3A_704] {strides = array<i32>} : memref<2048xi32, #tpu.memory_space<vmem>>, vector<16xi32>,
    %get3A_706 = vector.shape_cast %get3A_705 : vector<16xi32> to vector<16xi32>
    %shift_left3A_707 = arith.constant 2 : i32
    %shift_left3A_708 = vector.broadcast %shift_left3A_707 : i32 to vector<16xi32>
    %shift_left3A_709 = arith.shli %get3A_703, %shift_left3A_708 : vector<16xi32>
    %add3A_710 = arith.addi %shift_left3A_709, %get3A_706 : vector<16xi32>
    %lt3A_711 = arith.constant 0 : i32
    %lt3A_712 = vector.broadcast %lt3A_711 : i32 to vector<16xi32>
    %lt3A_713 = arith.cmpi slt, %add3A_710, %lt3A_712 : vector<16xi32>
    %add3A_714 = arith.constant 16 : i32
    %add3A_715 = vector.broadcast %add3A_714 : i32 to vector<16xi32>
    %add3A_716 = arith.addi %add3A_710, %add3A_715 : vector<16xi32>
    %select_n3A_717 = arith.select %lt3A_713, %add3A_716, %add3A_710 : vector<16xi1>, vector<16xi32>
    %broadcast_in_dim3A_718 = vector.shape_cast %select_n3A_717 : vector<16xi32> to vector<16x1xi32>
    %gather3A_719 = vector.shape_cast %broadcast_in_dim3A_718 : vector<16x1xi32> to vector<16xi32>
    %gather3A_720 = tpu.dynamic_gather %add3A_90[%gather3A_719] in [0] : vector<16xf32>, vector<16xi32> -> vector<16xf32>
    %swap3A_721 = arith.constant 400 : index
    %swap3A_722 = tpu.vector_load %arg7[%swap3A_721] {strides = array<i32>} : memref<1024xf32, #tpu.memory_space<vmem>>, vector<16xf32>,
    %swap3A_723 = vector.shape_cast %swap3A_722 : vector<16xf32> to vector<16xf32>
    %swap3A_724 = vector.shape_cast %gather3A_720 : vector<16xf32> to vector<16xf32>
    tpu.vector_store %arg7[%swap3A_721], %swap3A_724 {strides = array<i32>} : memref<1024xf32, #tpu.memory_space<vmem>>, vector<16xf32>,
    %get3A_725 = arith.constant 416 : index
    %get3A_726 = tpu.vector_load %arg6[%get3A_725] {strides = array<i32>} : memref<2048xi32, #tpu.memory_space<vmem>>, vector<16xi32>,
    %get3A_727 = vector.shape_cast %get3A_726 : vector<16xi32> to vector<16xi32>
    %get3A_728 = arith.constant 1440 : index
    %get3A_729 = tpu.vector_load %arg6[%get3A_728] {strides = array<i32>} : memref<2048xi32, #tpu.memory_space<vmem>>, vector<16xi32>,
    %get3A_730 = vector.shape_cast %get3A_729 : vector<16xi32> to vector<16xi32>
    %shift_left3A_731 = arith.constant 2 : i32
    %shift_left3A_732 = vector.broadcast %shift_left3A_731 : i32 to vector<16xi32>
    %shift_left3A_733 = arith.shli %get3A_727, %shift_left3A_732 : vector<16xi32>
    %add3A_734 = arith.addi %shift_left3A_733, %get3A_730 : vector<16xi32>
    %lt3A_735 = arith.constant 0 : i32
    %lt3A_736 = vector.broadcast %lt3A_735 : i32 to vector<16xi32>
    %lt3A_737 = arith.cmpi slt, %add3A_734, %lt3A_736 : vector<16xi32>
    %add3A_738 = arith.constant 16 : i32
    %add3A_739 = vector.broadcast %add3A_738 : i32 to vector<16xi32>
    %add3A_740 = arith.addi %add3A_734, %add3A_739 : vector<16xi32>
    %select_n3A_741 = arith.select %lt3A_737, %add3A_740, %add3A_734 : vector<16xi1>, vector<16xi32>
    %broadcast_in_dim3A_742 = vector.shape_cast %select_n3A_741 : vector<16xi32> to vector<16x1xi32>
    %gather3A_743 = vector.shape_cast %broadcast_in_dim3A_742 : vector<16x1xi32> to vector<16xi32>
    %gather3A_744 = tpu.dynamic_gather %add3A_90[%gather3A_743] in [0] : vector<16xf32>, vector<16xi32> -> vector<16xf32>
    %swap3A_745 = arith.constant 416 : index
    %swap3A_746 = tpu.vector_load %arg7[%swap3A_745] {strides = array<i32>} : memref<1024xf32, #tpu.memory_space<vmem>>, vector<16xf32>,
    %swap3A_747 = vector.shape_cast %swap3A_746 : vector<16xf32> to vector<16xf32>
    %swap3A_748 = vector.shape_cast %gather3A_744 : vector<16xf32> to vector<16xf32>
    tpu.vector_store %arg7[%swap3A_745], %swap3A_748 {strides = array<i32>} : memref<1024xf32, #tpu.memory_space<vmem>>, vector<16xf32>,
    %get3A_749 = arith.constant 432 : index
    %get3A_750 = tpu.vector_load %arg6[%get3A_749] {strides = array<i32>} : memref<2048xi32, #tpu.memory_space<vmem>>, vector<16xi32>,
    %get3A_751 = vector.shape_cast %get3A_750 : vector<16xi32> to vector<16xi32>
    %get3A_752 = arith.constant 1456 : index
    %get3A_753 = tpu.vector_load %arg6[%get3A_752] {strides = array<i32>} : memref<2048xi32, #tpu.memory_space<vmem>>, vector<16xi32>,
    %get3A_754 = vector.shape_cast %get3A_753 : vector<16xi32> to vector<16xi32>
    %shift_left3A_755 = arith.constant 2 : i32
    %shift_left3A_756 = vector.broadcast %shift_left3A_755 : i32 to vector<16xi32>
    %shift_left3A_757 = arith.shli %get3A_751, %shift_left3A_756 : vector<16xi32>
    %add3A_758 = arith.addi %shift_left3A_757, %get3A_754 : vector<16xi32>
    %lt3A_759 = arith.constant 0 : i32
    %lt3A_760 = vector.broadcast %lt3A_759 : i32 to vector<16xi32>
    %lt3A_761 = arith.cmpi slt, %add3A_758, %lt3A_760 : vector<16xi32>
    %add3A_762 = arith.constant 16 : i32
    %add3A_763 = vector.broadcast %add3A_762 : i32 to vector<16xi32>
    %add3A_764 = arith.addi %add3A_758, %add3A_763 : vector<16xi32>
    %select_n3A_765 = arith.select %lt3A_761, %add3A_764, %add3A_758 : vector<16xi1>, vector<16xi32>
    %broadcast_in_dim3A_766 = vector.shape_cast %select_n3A_765 : vector<16xi32> to vector<16x1xi32>
    %gather3A_767 = vector.shape_cast %broadcast_in_dim3A_766 : vector<16x1xi32> to vector<16xi32>
    %gather3A_768 = tpu.dynamic_gather %add3A_90[%gather3A_767] in [0] : vector<16xf32>, vector<16xi32> -> vector<16xf32>
    %swap3A_769 = arith.constant 432 : index
    %swap3A_770 = tpu.vector_load %arg7[%swap3A_769] {strides = array<i32>} : memref<1024xf32, #tpu.memory_space<vmem>>, vector<16xf32>,
    %swap3A_771 = vector.shape_cast %swap3A_770 : vector<16xf32> to vector<16xf32>
    %swap3A_772 = vector.shape_cast %gather3A_768 : vector<16xf32> to vector<16xf32>
    tpu.vector_store %arg7[%swap3A_769], %swap3A_772 {strides = array<i32>} : memref<1024xf32, #tpu.memory_space<vmem>>, vector<16xf32>,
    %get3A_773 = arith.constant 448 : index
    %get3A_774 = tpu.vector_load %arg6[%get3A_773] {strides = array<i32>} : memref<2048xi32, #tpu.memory_space<vmem>>, vector<16xi32>,
    %get3A_775 = vector.shape_cast %get3A_774 : vector<16xi32> to vector<16xi32>
    %get3A_776 = arith.constant 1472 : index
    %get3A_777 = tpu.vector_load %arg6[%get3A_776] {strides = array<i32>} : memref<2048xi32, #tpu.memory_space<vmem>>, vector<16xi32>,
    %get3A_778 = vector.shape_cast %get3A_777 : vector<16xi32> to vector<16xi32>
    %shift_left3A_779 = arith.constant 2 : i32
    %shift_left3A_780 = vector.broadcast %shift_left3A_779 : i32 to vector<16xi32>
    %shift_left3A_781 = arith.shli %get3A_775, %shift_left3A_780 : vector<16xi32>
    %add3A_782 = arith.addi %shift_left3A_781, %get3A_778 : vector<16xi32>
    %lt3A_783 = arith.constant 0 : i32
    %lt3A_784 = vector.broadcast %lt3A_783 : i32 to vector<16xi32>
    %lt3A_785 = arith.cmpi slt, %add3A_782, %lt3A_784 : vector<16xi32>
    %add3A_786 = arith.constant 16 : i32
    %add3A_787 = vector.broadcast %add3A_786 : i32 to vector<16xi32>
    %add3A_788 = arith.addi %add3A_782, %add3A_787 : vector<16xi32>
    %select_n3A_789 = arith.select %lt3A_785, %add3A_788, %add3A_782 : vector<16xi1>, vector<16xi32>
    %broadcast_in_dim3A_790 = vector.shape_cast %select_n3A_789 : vector<16xi32> to vector<16x1xi32>
    %gather3A_791 = vector.shape_cast %broadcast_in_dim3A_790 : vector<16x1xi32> to vector<16xi32>
    %gather3A_792 = tpu.dynamic_gather %add3A_90[%gather3A_791] in [0] : vector<16xf32>, vector<16xi32> -> vector<16xf32>
    %swap3A_793 = arith.constant 448 : index
    %swap3A_794 = tpu.vector_load %arg7[%swap3A_793] {strides = array<i32>} : memref<1024xf32, #tpu.memory_space<vmem>>, vector<16xf32>,
    %swap3A_795 = vector.shape_cast %swap3A_794 : vector<16xf32> to vector<16xf32>
    %swap3A_796 = vector.shape_cast %gather3A_792 : vector<16xf32> to vector<16xf32>
    tpu.vector_store %arg7[%swap3A_793], %swap3A_796 {strides = array<i32>} : memref<1024xf32, #tpu.memory_space<vmem>>, vector<16xf32>,
    %get3A_797 = arith.constant 464 : index
    %get3A_798 = tpu.vector_load %arg6[%get3A_797] {strides = array<i32>} : memref<2048xi32, #tpu.memory_space<vmem>>, vector<16xi32>,
    %get3A_799 = vector.shape_cast %get3A_798 : vector<16xi32> to vector<16xi32>
    %get3A_800 = arith.constant 1488 : index
    %get3A_801 = tpu.vector_load %arg6[%get3A_800] {strides = array<i32>} : memref<2048xi32, #tpu.memory_space<vmem>>, vector<16xi32>,
    %get3A_802 = vector.shape_cast %get3A_801 : vector<16xi32> to vector<16xi32>
    %shift_left3A_803 = arith.constant 2 : i32
    %shift_left3A_804 = vector.broadcast %shift_left3A_803 : i32 to vector<16xi32>
    %shift_left3A_805 = arith.shli %get3A_799, %shift_left3A_804 : vector<16xi32>
    %add3A_806 = arith.addi %shift_left3A_805, %get3A_802 : vector<16xi32>
    %lt3A_807 = arith.constant 0 : i32
    %lt3A_808 = vector.broadcast %lt3A_807 : i32 to vector<16xi32>
    %lt3A_809 = arith.cmpi slt, %add3A_806, %lt3A_808 : vector<16xi32>
    %add3A_810 = arith.constant 16 : i32
    %add3A_811 = vector.broadcast %add3A_810 : i32 to vector<16xi32>
    %add3A_812 = arith.addi %add3A_806, %add3A_811 : vector<16xi32>
    %select_n3A_813 = arith.select %lt3A_809, %add3A_812, %add3A_806 : vector<16xi1>, vector<16xi32>
    %broadcast_in_dim3A_814 = vector.shape_cast %select_n3A_813 : vector<16xi32> to vector<16x1xi32>
    %gather3A_815 = vector.shape_cast %broadcast_in_dim3A_814 : vector<16x1xi32> to vector<16xi32>
    %gather3A_816 = tpu.dynamic_gather %add3A_90[%gather3A_815] in [0] : vector<16xf32>, vector<16xi32> -> vector<16xf32>
    %swap3A_817 = arith.constant 464 : index
    %swap3A_818 = tpu.vector_load %arg7[%swap3A_817] {strides = array<i32>} : memref<1024xf32, #tpu.memory_space<vmem>>, vector<16xf32>,
    %swap3A_819 = vector.shape_cast %swap3A_818 : vector<16xf32> to vector<16xf32>
    %swap3A_820 = vector.shape_cast %gather3A_816 : vector<16xf32> to vector<16xf32>
    tpu.vector_store %arg7[%swap3A_817], %swap3A_820 {strides = array<i32>} : memref<1024xf32, #tpu.memory_space<vmem>>, vector<16xf32>,
    %get3A_821 = arith.constant 480 : index
    %get3A_822 = tpu.vector_load %arg6[%get3A_821] {strides = array<i32>} : memref<2048xi32, #tpu.memory_space<vmem>>, vector<16xi32>,
    %get3A_823 = vector.shape_cast %get3A_822 : vector<16xi32> to vector<16xi32>
    %get3A_824 = arith.constant 1504 : index
    %get3A_825 = tpu.vector_load %arg6[%get3A_824] {strides = array<i32>} : memref<2048xi32, #tpu.memory_space<vmem>>, vector<16xi32>,
    %get3A_826 = vector.shape_cast %get3A_825 : vector<16xi32> to vector<16xi32>
    %shift_left3A_827 = arith.constant 2 : i32
    %shift_left3A_828 = vector.broadcast %shift_left3A_827 : i32 to vector<16xi32>
    %shift_left3A_829 = arith.shli %get3A_823, %shift_left3A_828 : vector<16xi32>
    %add3A_830 = arith.addi %shift_left3A_829, %get3A_826 : vector<16xi32>
    %lt3A_831 = arith.constant 0 : i32
    %lt3A_832 = vector.broadcast %lt3A_831 : i32 to vector<16xi32>
    %lt3A_833 = arith.cmpi slt, %add3A_830, %lt3A_832 : vector<16xi32>
    %add3A_834 = arith.constant 16 : i32
    %add3A_835 = vector.broadcast %add3A_834 : i32 to vector<16xi32>
    %add3A_836 = arith.addi %add3A_830, %add3A_835 : vector<16xi32>
    %select_n3A_837 = arith.select %lt3A_833, %add3A_836, %add3A_830 : vector<16xi1>, vector<16xi32>
    %broadcast_in_dim3A_838 = vector.shape_cast %select_n3A_837 : vector<16xi32> to vector<16x1xi32>
    %gather3A_839 = vector.shape_cast %broadcast_in_dim3A_838 : vector<16x1xi32> to vector<16xi32>
    %gather3A_840 = tpu.dynamic_gather %add3A_90[%gather3A_839] in [0] : vector<16xf32>, vector<16xi32> -> vector<16xf32>
    %swap3A_841 = arith.constant 480 : index
    %swap3A_842 = tpu.vector_load %arg7[%swap3A_841] {strides = array<i32>} : memref<1024xf32, #tpu.memory_space<vmem>>, vector<16xf32>,
    %swap3A_843 = vector.shape_cast %swap3A_842 : vector<16xf32> to vector<16xf32>
    %swap3A_844 = vector.shape_cast %gather3A_840 : vector<16xf32> to vector<16xf32>
    tpu.vector_store %arg7[%swap3A_841], %swap3A_844 {strides = array<i32>} : memref<1024xf32, #tpu.memory_space<vmem>>, vector<16xf32>,
    %get3A_845 = arith.constant 496 : index
    %get3A_846 = tpu.vector_load %arg6[%get3A_845] {strides = array<i32>} : memref<2048xi32, #tpu.memory_space<vmem>>, vector<16xi32>,
    %get3A_847 = vector.shape_cast %get3A_846 : vector<16xi32> to vector<16xi32>
    %get3A_848 = arith.constant 1520 : index
    %get3A_849 = tpu.vector_load %arg6[%get3A_848] {strides = array<i32>} : memref<2048xi32, #tpu.memory_space<vmem>>, vector<16xi32>,
    %get3A_850 = vector.shape_cast %get3A_849 : vector<16xi32> to vector<16xi32>
    %shift_left3A_851 = arith.constant 2 : i32
    %shift_left3A_852 = vector.broadcast %shift_left3A_851 : i32 to vector<16xi32>
    %shift_left3A_853 = arith.shli %get3A_847, %shift_left3A_852 : vector<16xi32>
    %add3A_854 = arith.addi %shift_left3A_853, %get3A_850 : vector<16xi32>
    %lt3A_855 = arith.constant 0 : i32
    %lt3A_856 = vector.broadcast %lt3A_855 : i32 to vector<16xi32>
    %lt3A_857 = arith.cmpi slt, %add3A_854, %lt3A_856 : vector<16xi32>
    %add3A_858 = arith.constant 16 : i32
    %add3A_859 = vector.broadcast %add3A_858 : i32 to vector<16xi32>
    %add3A_860 = arith.addi %add3A_854, %add3A_859 : vector<16xi32>
    %select_n3A_861 = arith.select %lt3A_857, %add3A_860, %add3A_854 : vector<16xi1>, vector<16xi32>
    %broadcast_in_dim3A_862 = vector.shape_cast %select_n3A_861 : vector<16xi32> to vector<16x1xi32>
    %gather3A_863 = vector.shape_cast %broadcast_in_dim3A_862 : vector<16x1xi32> to vector<16xi32>
    %gather3A_864 = tpu.dynamic_gather %add3A_90[%gather3A_863] in [0] : vector<16xf32>, vector<16xi32> -> vector<16xf32>
    %swap3A_865 = arith.constant 496 : index
    %swap3A_866 = tpu.vector_load %arg7[%swap3A_865] {strides = array<i32>} : memref<1024xf32, #tpu.memory_space<vmem>>, vector<16xf32>,
    %swap3A_867 = vector.shape_cast %swap3A_866 : vector<16xf32> to vector<16xf32>
    %swap3A_868 = vector.shape_cast %gather3A_864 : vector<16xf32> to vector<16xf32>
    tpu.vector_store %arg7[%swap3A_865], %swap3A_868 {strides = array<i32>} : memref<1024xf32, #tpu.memory_space<vmem>>, vector<16xf32>,
    %dma_start3A_869 = arith.constant 0 : i32
    %dma_start3A_870 = tpu.memref_slice %arg7[%dma_start3A_869] : memref<1024xf32, #tpu.memory_space<vmem>> -> memref<512xf32, #tpu.memory_space<vmem>>
    %dma_start3A_871 = tpu.memref_slice %arg5[%mul3A_2] : memref<16384xf32, #tpu.memory_space<hbm>> -> memref<512xf32, #tpu.memory_space<hbm>>
    %dma_start3A_872 = tpu.memref_slice %arg5[%mul3A_2] : memref<16384xf32, #tpu.memory_space<hbm>> -> memref<512xf32, #tpu.memory_space<hbm>>
    %dma_start3A_873 = arith.constant 0 : i32
    %dma_start3A_874 = tpu.memref_slice %arg7[%dma_start3A_873] : memref<1024xf32, #tpu.memory_space<vmem>> -> memref<512xf32, #tpu.memory_space<vmem>>
    tpu.enqueue_dma source(%dma_start3A_874 : memref<512xf32, #tpu.memory_space<vmem>>) target(%dma_start3A_872 : memref<512xf32, #tpu.memory_space<hbm>>) target_semaphore(%arg9 : memref<!tpu.dma_semaphore, #tpu.memory_space<semaphore_mem>>)
    %get3A_875 = arith.constant 512 : index
    %get3A_876 = tpu.vector_load %arg6[%get3A_875] {strides = array<i32>} : memref<2048xi32, #tpu.memory_space<vmem>>, vector<16xi32>,
    %get3A_877 = vector.shape_cast %get3A_876 : vector<16xi32> to vector<16xi32>
    %get3A_878 = arith.constant 1536 : index
    %get3A_879 = tpu.vector_load %arg6[%get3A_878] {strides = array<i32>} : memref<2048xi32, #tpu.memory_space<vmem>>, vector<16xi32>,
    %get3A_880 = vector.shape_cast %get3A_879 : vector<16xi32> to vector<16xi32>
    %shift_left3A_881 = arith.constant 2 : i32
    %shift_left3A_882 = vector.broadcast %shift_left3A_881 : i32 to vector<16xi32>
    %shift_left3A_883 = arith.shli %get3A_877, %shift_left3A_882 : vector<16xi32>
    %add3A_884 = arith.addi %shift_left3A_883, %get3A_880 : vector<16xi32>
    %lt3A_885 = arith.constant 0 : i32
    %lt3A_886 = vector.broadcast %lt3A_885 : i32 to vector<16xi32>
    %lt3A_887 = arith.cmpi slt, %add3A_884, %lt3A_886 : vector<16xi32>
    %add3A_888 = arith.constant 16 : i32
    %add3A_889 = vector.broadcast %add3A_888 : i32 to vector<16xi32>
    %add3A_890 = arith.addi %add3A_884, %add3A_889 : vector<16xi32>
    %select_n3A_891 = arith.select %lt3A_887, %add3A_890, %add3A_884 : vector<16xi1>, vector<16xi32>
    %broadcast_in_dim3A_892 = vector.shape_cast %select_n3A_891 : vector<16xi32> to vector<16x1xi32>
    %gather3A_893 = vector.shape_cast %broadcast_in_dim3A_892 : vector<16x1xi32> to vector<16xi32>
    %gather3A_894 = tpu.dynamic_gather %add3A_90[%gather3A_893] in [0] : vector<16xf32>, vector<16xi32> -> vector<16xf32>
    %swap3A_895 = arith.constant 512 : index
    %swap3A_896 = tpu.vector_load %arg7[%swap3A_895] {strides = array<i32>} : memref<1024xf32, #tpu.memory_space<vmem>>, vector<16xf32>,
    %swap3A_897 = vector.shape_cast %swap3A_896 : vector<16xf32> to vector<16xf32>
    %swap3A_898 = vector.shape_cast %gather3A_894 : vector<16xf32> to vector<16xf32>
    tpu.vector_store %arg7[%swap3A_895], %swap3A_898 {strides = array<i32>} : memref<1024xf32, #tpu.memory_space<vmem>>, vector<16xf32>,
    %get3A_899 = arith.constant 528 : index
    %get3A_900 = tpu.vector_load %arg6[%get3A_899] {strides = array<i32>} : memref<2048xi32, #tpu.memory_space<vmem>>, vector<16xi32>,
    %get3A_901 = vector.shape_cast %get3A_900 : vector<16xi32> to vector<16xi32>
    %get3A_902 = arith.constant 1552 : index
    %get3A_903 = tpu.vector_load %arg6[%get3A_902] {strides = array<i32>} : memref<2048xi32, #tpu.memory_space<vmem>>, vector<16xi32>,
    %get3A_904 = vector.shape_cast %get3A_903 : vector<16xi32> to vector<16xi32>
    %shift_left3A_905 = arith.constant 2 : i32
    %shift_left3A_906 = vector.broadcast %shift_left3A_905 : i32 to vector<16xi32>
    %shift_left3A_907 = arith.shli %get3A_901, %shift_left3A_906 : vector<16xi32>
    %add3A_908 = arith.addi %shift_left3A_907, %get3A_904 : vector<16xi32>
    %lt3A_909 = arith.constant 0 : i32
    %lt3A_910 = vector.broadcast %lt3A_909 : i32 to vector<16xi32>
    %lt3A_911 = arith.cmpi slt, %add3A_908, %lt3A_910 : vector<16xi32>
    %add3A_912 = arith.constant 16 : i32
    %add3A_913 = vector.broadcast %add3A_912 : i32 to vector<16xi32>
    %add3A_914 = arith.addi %add3A_908, %add3A_913 : vector<16xi32>
    %select_n3A_915 = arith.select %lt3A_911, %add3A_914, %add3A_908 : vector<16xi1>, vector<16xi32>
    %broadcast_in_dim3A_916 = vector.shape_cast %select_n3A_915 : vector<16xi32> to vector<16x1xi32>
    %gather3A_917 = vector.shape_cast %broadcast_in_dim3A_916 : vector<16x1xi32> to vector<16xi32>
    %gather3A_918 = tpu.dynamic_gather %add3A_90[%gather3A_917] in [0] : vector<16xf32>, vector<16xi32> -> vector<16xf32>
    %swap3A_919 = arith.constant 528 : index
    %swap3A_920 = tpu.vector_load %arg7[%swap3A_919] {strides = array<i32>} : memref<1024xf32, #tpu.memory_space<vmem>>, vector<16xf32>,
    %swap3A_921 = vector.shape_cast %swap3A_920 : vector<16xf32> to vector<16xf32>
    %swap3A_922 = vector.shape_cast %gather3A_918 : vector<16xf32> to vector<16xf32>
    tpu.vector_store %arg7[%swap3A_919], %swap3A_922 {strides = array<i32>} : memref<1024xf32, #tpu.memory_space<vmem>>, vector<16xf32>,
    %get3A_923 = arith.constant 544 : index
    %get3A_924 = tpu.vector_load %arg6[%get3A_923] {strides = array<i32>} : memref<2048xi32, #tpu.memory_space<vmem>>, vector<16xi32>,
    %get3A_925 = vector.shape_cast %get3A_924 : vector<16xi32> to vector<16xi32>
    %get3A_926 = arith.constant 1568 : index
    %get3A_927 = tpu.vector_load %arg6[%get3A_926] {strides = array<i32>} : memref<2048xi32, #tpu.memory_space<vmem>>, vector<16xi32>,
    %get3A_928 = vector.shape_cast %get3A_927 : vector<16xi32> to vector<16xi32>
    %shift_left3A_929 = arith.constant 2 : i32
    %shift_left3A_930 = vector.broadcast %shift_left3A_929 : i32 to vector<16xi32>
    %shift_left3A_931 = arith.shli %get3A_925, %shift_left3A_930 : vector<16xi32>
    %add3A_932 = arith.addi %shift_left3A_931, %get3A_928 : vector<16xi32>
    %lt3A_933 = arith.constant 0 : i32
    %lt3A_934 = vector.broadcast %lt3A_933 : i32 to vector<16xi32>
    %lt3A_935 = arith.cmpi slt, %add3A_932, %lt3A_934 : vector<16xi32>
    %add3A_936 = arith.constant 16 : i32
    %add3A_937 = vector.broadcast %add3A_936 : i32 to vector<16xi32>
    %add3A_938 = arith.addi %add3A_932, %add3A_937 : vector<16xi32>
    %select_n3A_939 = arith.select %lt3A_935, %add3A_938, %add3A_932 : vector<16xi1>, vector<16xi32>
    %broadcast_in_dim3A_940 = vector.shape_cast %select_n3A_939 : vector<16xi32> to vector<16x1xi32>
    %gather3A_941 = vector.shape_cast %broadcast_in_dim3A_940 : vector<16x1xi32> to vector<16xi32>
    %gather3A_942 = tpu.dynamic_gather %add3A_90[%gather3A_941] in [0] : vector<16xf32>, vector<16xi32> -> vector<16xf32>
    %swap3A_943 = arith.constant 544 : index
    %swap3A_944 = tpu.vector_load %arg7[%swap3A_943] {strides = array<i32>} : memref<1024xf32, #tpu.memory_space<vmem>>, vector<16xf32>,
    %swap3A_945 = vector.shape_cast %swap3A_944 : vector<16xf32> to vector<16xf32>
    %swap3A_946 = vector.shape_cast %gather3A_942 : vector<16xf32> to vector<16xf32>
    tpu.vector_store %arg7[%swap3A_943], %swap3A_946 {strides = array<i32>} : memref<1024xf32, #tpu.memory_space<vmem>>, vector<16xf32>,
    %get3A_947 = arith.constant 560 : index
    %get3A_948 = tpu.vector_load %arg6[%get3A_947] {strides = array<i32>} : memref<2048xi32, #tpu.memory_space<vmem>>, vector<16xi32>,
    %get3A_949 = vector.shape_cast %get3A_948 : vector<16xi32> to vector<16xi32>
    %get3A_950 = arith.constant 1584 : index
    %get3A_951 = tpu.vector_load %arg6[%get3A_950] {strides = array<i32>} : memref<2048xi32, #tpu.memory_space<vmem>>, vector<16xi32>,
    %get3A_952 = vector.shape_cast %get3A_951 : vector<16xi32> to vector<16xi32>
    %shift_left3A_953 = arith.constant 2 : i32
    %shift_left3A_954 = vector.broadcast %shift_left3A_953 : i32 to vector<16xi32>
    %shift_left3A_955 = arith.shli %get3A_949, %shift_left3A_954 : vector<16xi32>
    %add3A_956 = arith.addi %shift_left3A_955, %get3A_952 : vector<16xi32>
    %lt3A_957 = arith.constant 0 : i32
    %lt3A_958 = vector.broadcast %lt3A_957 : i32 to vector<16xi32>
    %lt3A_959 = arith.cmpi slt, %add3A_956, %lt3A_958 : vector<16xi32>
    %add3A_960 = arith.constant 16 : i32
    %add3A_961 = vector.broadcast %add3A_960 : i32 to vector<16xi32>
    %add3A_962 = arith.addi %add3A_956, %add3A_961 : vector<16xi32>
    %select_n3A_963 = arith.select %lt3A_959, %add3A_962, %add3A_956 : vector<16xi1>, vector<16xi32>
    %broadcast_in_dim3A_964 = vector.shape_cast %select_n3A_963 : vector<16xi32> to vector<16x1xi32>
    %gather3A_965 = vector.shape_cast %broadcast_in_dim3A_964 : vector<16x1xi32> to vector<16xi32>
    %gather3A_966 = tpu.dynamic_gather %add3A_90[%gather3A_965] in [0] : vector<16xf32>, vector<16xi32> -> vector<16xf32>
    %swap3A_967 = arith.constant 560 : index
    %swap3A_968 = tpu.vector_load %arg7[%swap3A_967] {strides = array<i32>} : memref<1024xf32, #tpu.memory_space<vmem>>, vector<16xf32>,
    %swap3A_969 = vector.shape_cast %swap3A_968 : vector<16xf32> to vector<16xf32>
    %swap3A_970 = vector.shape_cast %gather3A_966 : vector<16xf32> to vector<16xf32>
    tpu.vector_store %arg7[%swap3A_967], %swap3A_970 {strides = array<i32>} : memref<1024xf32, #tpu.memory_space<vmem>>, vector<16xf32>,
    %get3A_971 = arith.constant 576 : index
    %get3A_972 = tpu.vector_load %arg6[%get3A_971] {strides = array<i32>} : memref<2048xi32, #tpu.memory_space<vmem>>, vector<16xi32>,
    %get3A_973 = vector.shape_cast %get3A_972 : vector<16xi32> to vector<16xi32>
    %get3A_974 = arith.constant 1600 : index
    %get3A_975 = tpu.vector_load %arg6[%get3A_974] {strides = array<i32>} : memref<2048xi32, #tpu.memory_space<vmem>>, vector<16xi32>,
    %get3A_976 = vector.shape_cast %get3A_975 : vector<16xi32> to vector<16xi32>
    %shift_left3A_977 = arith.constant 2 : i32
    %shift_left3A_978 = vector.broadcast %shift_left3A_977 : i32 to vector<16xi32>
    %shift_left3A_979 = arith.shli %get3A_973, %shift_left3A_978 : vector<16xi32>
    %add3A_980 = arith.addi %shift_left3A_979, %get3A_976 : vector<16xi32>
    %lt3A_981 = arith.constant 0 : i32
    %lt3A_982 = vector.broadcast %lt3A_981 : i32 to vector<16xi32>
    %lt3A_983 = arith.cmpi slt, %add3A_980, %lt3A_982 : vector<16xi32>
    %add3A_984 = arith.constant 16 : i32
    %add3A_985 = vector.broadcast %add3A_984 : i32 to vector<16xi32>
    %add3A_986 = arith.addi %add3A_980, %add3A_985 : vector<16xi32>
    %select_n3A_987 = arith.select %lt3A_983, %add3A_986, %add3A_980 : vector<16xi1>, vector<16xi32>
    %broadcast_in_dim3A_988 = vector.shape_cast %select_n3A_987 : vector<16xi32> to vector<16x1xi32>
    %gather3A_989 = vector.shape_cast %broadcast_in_dim3A_988 : vector<16x1xi32> to vector<16xi32>
    %gather3A_990 = tpu.dynamic_gather %add3A_90[%gather3A_989] in [0] : vector<16xf32>, vector<16xi32> -> vector<16xf32>
    %swap3A_991 = arith.constant 576 : index
    %swap3A_992 = tpu.vector_load %arg7[%swap3A_991] {strides = array<i32>} : memref<1024xf32, #tpu.memory_space<vmem>>, vector<16xf32>,
    %swap3A_993 = vector.shape_cast %swap3A_992 : vector<16xf32> to vector<16xf32>
    %swap3A_994 = vector.shape_cast %gather3A_990 : vector<16xf32> to vector<16xf32>
    tpu.vector_store %arg7[%swap3A_991], %swap3A_994 {strides = array<i32>} : memref<1024xf32, #tpu.memory_space<vmem>>, vector<16xf32>,
    %get3A_995 = arith.constant 592 : index
    %get3A_996 = tpu.vector_load %arg6[%get3A_995] {strides = array<i32>} : memref<2048xi32, #tpu.memory_space<vmem>>, vector<16xi32>,
    %get3A_997 = vector.shape_cast %get3A_996 : vector<16xi32> to vector<16xi32>
    %get3A_998 = arith.constant 1616 : index
    %get3A_999 = tpu.vector_load %arg6[%get3A_998] {strides = array<i32>} : memref<2048xi32, #tpu.memory_space<vmem>>, vector<16xi32>,
    %get3A_1000 = vector.shape_cast %get3A_999 : vector<16xi32> to vector<16xi32>
    %shift_left3A_1001 = arith.constant 2 : i32
    %shift_left3A_1002 = vector.broadcast %shift_left3A_1001 : i32 to vector<16xi32>
    %shift_left3A_1003 = arith.shli %get3A_997, %shift_left3A_1002 : vector<16xi32>
    %add3A_1004 = arith.addi %shift_left3A_1003, %get3A_1000 : vector<16xi32>
    %lt3A_1005 = arith.constant 0 : i32
    %lt3A_1006 = vector.broadcast %lt3A_1005 : i32 to vector<16xi32>
    %lt3A_1007 = arith.cmpi slt, %add3A_1004, %lt3A_1006 : vector<16xi32>
    %add3A_1008 = arith.constant 16 : i32
    %add3A_1009 = vector.broadcast %add3A_1008 : i32 to vector<16xi32>
    %add3A_1010 = arith.addi %add3A_1004, %add3A_1009 : vector<16xi32>
    %select_n3A_1011 = arith.select %lt3A_1007, %add3A_1010, %add3A_1004 : vector<16xi1>, vector<16xi32>
    %broadcast_in_dim3A_1012 = vector.shape_cast %select_n3A_1011 : vector<16xi32> to vector<16x1xi32>
    %gather3A_1013 = vector.shape_cast %broadcast_in_dim3A_1012 : vector<16x1xi32> to vector<16xi32>
    %gather3A_1014 = tpu.dynamic_gather %add3A_90[%gather3A_1013] in [0] : vector<16xf32>, vector<16xi32> -> vector<16xf32>
    %swap3A_1015 = arith.constant 592 : index
    %swap3A_1016 = tpu.vector_load %arg7[%swap3A_1015] {strides = array<i32>} : memref<1024xf32, #tpu.memory_space<vmem>>, vector<16xf32>,
    %swap3A_1017 = vector.shape_cast %swap3A_1016 : vector<16xf32> to vector<16xf32>
    %swap3A_1018 = vector.shape_cast %gather3A_1014 : vector<16xf32> to vector<16xf32>
    tpu.vector_store %arg7[%swap3A_1015], %swap3A_1018 {strides = array<i32>} : memref<1024xf32, #tpu.memory_space<vmem>>, vector<16xf32>,
    %get3A_1019 = arith.constant 608 : index
    %get3A_1020 = tpu.vector_load %arg6[%get3A_1019] {strides = array<i32>} : memref<2048xi32, #tpu.memory_space<vmem>>, vector<16xi32>,
    %get3A_1021 = vector.shape_cast %get3A_1020 : vector<16xi32> to vector<16xi32>
    %get3A_1022 = arith.constant 1632 : index
    %get3A_1023 = tpu.vector_load %arg6[%get3A_1022] {strides = array<i32>} : memref<2048xi32, #tpu.memory_space<vmem>>, vector<16xi32>,
    %get3A_1024 = vector.shape_cast %get3A_1023 : vector<16xi32> to vector<16xi32>
    %shift_left3A_1025 = arith.constant 2 : i32
    %shift_left3A_1026 = vector.broadcast %shift_left3A_1025 : i32 to vector<16xi32>
    %shift_left3A_1027 = arith.shli %get3A_1021, %shift_left3A_1026 : vector<16xi32>
    %add3A_1028 = arith.addi %shift_left3A_1027, %get3A_1024 : vector<16xi32>
    %lt3A_1029 = arith.constant 0 : i32
    %lt3A_1030 = vector.broadcast %lt3A_1029 : i32 to vector<16xi32>
    %lt3A_1031 = arith.cmpi slt, %add3A_1028, %lt3A_1030 : vector<16xi32>
    %add3A_1032 = arith.constant 16 : i32
    %add3A_1033 = vector.broadcast %add3A_1032 : i32 to vector<16xi32>
    %add3A_1034 = arith.addi %add3A_1028, %add3A_1033 : vector<16xi32>
    %select_n3A_1035 = arith.select %lt3A_1031, %add3A_1034, %add3A_1028 : vector<16xi1>, vector<16xi32>
    %broadcast_in_dim3A_1036 = vector.shape_cast %select_n3A_1035 : vector<16xi32> to vector<16x1xi32>
    %gather3A_1037 = vector.shape_cast %broadcast_in_dim3A_1036 : vector<16x1xi32> to vector<16xi32>
    %gather3A_1038 = tpu.dynamic_gather %add3A_90[%gather3A_1037] in [0] : vector<16xf32>, vector<16xi32> -> vector<16xf32>
    %swap3A_1039 = arith.constant 608 : index
    %swap3A_1040 = tpu.vector_load %arg7[%swap3A_1039] {strides = array<i32>} : memref<1024xf32, #tpu.memory_space<vmem>>, vector<16xf32>,
    %swap3A_1041 = vector.shape_cast %swap3A_1040 : vector<16xf32> to vector<16xf32>
    %swap3A_1042 = vector.shape_cast %gather3A_1038 : vector<16xf32> to vector<16xf32>
    tpu.vector_store %arg7[%swap3A_1039], %swap3A_1042 {strides = array<i32>} : memref<1024xf32, #tpu.memory_space<vmem>>, vector<16xf32>,
    %get3A_1043 = arith.constant 624 : index
    %get3A_1044 = tpu.vector_load %arg6[%get3A_1043] {strides = array<i32>} : memref<2048xi32, #tpu.memory_space<vmem>>, vector<16xi32>,
    %get3A_1045 = vector.shape_cast %get3A_1044 : vector<16xi32> to vector<16xi32>
    %get3A_1046 = arith.constant 1648 : index
    %get3A_1047 = tpu.vector_load %arg6[%get3A_1046] {strides = array<i32>} : memref<2048xi32, #tpu.memory_space<vmem>>, vector<16xi32>,
    %get3A_1048 = vector.shape_cast %get3A_1047 : vector<16xi32> to vector<16xi32>
    %shift_left3A_1049 = arith.constant 2 : i32
    %shift_left3A_1050 = vector.broadcast %shift_left3A_1049 : i32 to vector<16xi32>
    %shift_left3A_1051 = arith.shli %get3A_1045, %shift_left3A_1050 : vector<16xi32>
    %add3A_1052 = arith.addi %shift_left3A_1051, %get3A_1048 : vector<16xi32>
    %lt3A_1053 = arith.constant 0 : i32
    %lt3A_1054 = vector.broadcast %lt3A_1053 : i32 to vector<16xi32>
    %lt3A_1055 = arith.cmpi slt, %add3A_1052, %lt3A_1054 : vector<16xi32>
    %add3A_1056 = arith.constant 16 : i32
    %add3A_1057 = vector.broadcast %add3A_1056 : i32 to vector<16xi32>
    %add3A_1058 = arith.addi %add3A_1052, %add3A_1057 : vector<16xi32>
    %select_n3A_1059 = arith.select %lt3A_1055, %add3A_1058, %add3A_1052 : vector<16xi1>, vector<16xi32>
    %broadcast_in_dim3A_1060 = vector.shape_cast %select_n3A_1059 : vector<16xi32> to vector<16x1xi32>
    %gather3A_1061 = vector.shape_cast %broadcast_in_dim3A_1060 : vector<16x1xi32> to vector<16xi32>
    %gather3A_1062 = tpu.dynamic_gather %add3A_90[%gather3A_1061] in [0] : vector<16xf32>, vector<16xi32> -> vector<16xf32>
    %swap3A_1063 = arith.constant 624 : index
    %swap3A_1064 = tpu.vector_load %arg7[%swap3A_1063] {strides = array<i32>} : memref<1024xf32, #tpu.memory_space<vmem>>, vector<16xf32>,
    %swap3A_1065 = vector.shape_cast %swap3A_1064 : vector<16xf32> to vector<16xf32>
    %swap3A_1066 = vector.shape_cast %gather3A_1062 : vector<16xf32> to vector<16xf32>
    tpu.vector_store %arg7[%swap3A_1063], %swap3A_1066 {strides = array<i32>} : memref<1024xf32, #tpu.memory_space<vmem>>, vector<16xf32>,
    %get3A_1067 = arith.constant 640 : index
    %get3A_1068 = tpu.vector_load %arg6[%get3A_1067] {strides = array<i32>} : memref<2048xi32, #tpu.memory_space<vmem>>, vector<16xi32>,
    %get3A_1069 = vector.shape_cast %get3A_1068 : vector<16xi32> to vector<16xi32>
    %get3A_1070 = arith.constant 1664 : index
    %get3A_1071 = tpu.vector_load %arg6[%get3A_1070] {strides = array<i32>} : memref<2048xi32, #tpu.memory_space<vmem>>, vector<16xi32>,
    %get3A_1072 = vector.shape_cast %get3A_1071 : vector<16xi32> to vector<16xi32>
    %shift_left3A_1073 = arith.constant 2 : i32
    %shift_left3A_1074 = vector.broadcast %shift_left3A_1073 : i32 to vector<16xi32>
    %shift_left3A_1075 = arith.shli %get3A_1069, %shift_left3A_1074 : vector<16xi32>
    %add3A_1076 = arith.addi %shift_left3A_1075, %get3A_1072 : vector<16xi32>
    %lt3A_1077 = arith.constant 0 : i32
    %lt3A_1078 = vector.broadcast %lt3A_1077 : i32 to vector<16xi32>
    %lt3A_1079 = arith.cmpi slt, %add3A_1076, %lt3A_1078 : vector<16xi32>
    %add3A_1080 = arith.constant 16 : i32
    %add3A_1081 = vector.broadcast %add3A_1080 : i32 to vector<16xi32>
    %add3A_1082 = arith.addi %add3A_1076, %add3A_1081 : vector<16xi32>
    %select_n3A_1083 = arith.select %lt3A_1079, %add3A_1082, %add3A_1076 : vector<16xi1>, vector<16xi32>
    %broadcast_in_dim3A_1084 = vector.shape_cast %select_n3A_1083 : vector<16xi32> to vector<16x1xi32>
    %gather3A_1085 = vector.shape_cast %broadcast_in_dim3A_1084 : vector<16x1xi32> to vector<16xi32>
    %gather3A_1086 = tpu.dynamic_gather %add3A_90[%gather3A_1085] in [0] : vector<16xf32>, vector<16xi32> -> vector<16xf32>
    %swap3A_1087 = arith.constant 640 : index
    %swap3A_1088 = tpu.vector_load %arg7[%swap3A_1087] {strides = array<i32>} : memref<1024xf32, #tpu.memory_space<vmem>>, vector<16xf32>,
    %swap3A_1089 = vector.shape_cast %swap3A_1088 : vector<16xf32> to vector<16xf32>
    %swap3A_1090 = vector.shape_cast %gather3A_1086 : vector<16xf32> to vector<16xf32>
    tpu.vector_store %arg7[%swap3A_1087], %swap3A_1090 {strides = array<i32>} : memref<1024xf32, #tpu.memory_space<vmem>>, vector<16xf32>,
    %get3A_1091 = arith.constant 656 : index
    %get3A_1092 = tpu.vector_load %arg6[%get3A_1091] {strides = array<i32>} : memref<2048xi32, #tpu.memory_space<vmem>>, vector<16xi32>,
    %get3A_1093 = vector.shape_cast %get3A_1092 : vector<16xi32> to vector<16xi32>
    %get3A_1094 = arith.constant 1680 : index
    %get3A_1095 = tpu.vector_load %arg6[%get3A_1094] {strides = array<i32>} : memref<2048xi32, #tpu.memory_space<vmem>>, vector<16xi32>,
    %get3A_1096 = vector.shape_cast %get3A_1095 : vector<16xi32> to vector<16xi32>
    %shift_left3A_1097 = arith.constant 2 : i32
    %shift_left3A_1098 = vector.broadcast %shift_left3A_1097 : i32 to vector<16xi32>
    %shift_left3A_1099 = arith.shli %get3A_1093, %shift_left3A_1098 : vector<16xi32>
    %add3A_1100 = arith.addi %shift_left3A_1099, %get3A_1096 : vector<16xi32>
    %lt3A_1101 = arith.constant 0 : i32
    %lt3A_1102 = vector.broadcast %lt3A_1101 : i32 to vector<16xi32>
    %lt3A_1103 = arith.cmpi slt, %add3A_1100, %lt3A_1102 : vector<16xi32>
    %add3A_1104 = arith.constant 16 : i32
    %add3A_1105 = vector.broadcast %add3A_1104 : i32 to vector<16xi32>
    %add3A_1106 = arith.addi %add3A_1100, %add3A_1105 : vector<16xi32>
    %select_n3A_1107 = arith.select %lt3A_1103, %add3A_1106, %add3A_1100 : vector<16xi1>, vector<16xi32>
    %broadcast_in_dim3A_1108 = vector.shape_cast %select_n3A_1107 : vector<16xi32> to vector<16x1xi32>
    %gather3A_1109 = vector.shape_cast %broadcast_in_dim3A_1108 : vector<16x1xi32> to vector<16xi32>
    %gather3A_1110 = tpu.dynamic_gather %add3A_90[%gather3A_1109] in [0] : vector<16xf32>, vector<16xi32> -> vector<16xf32>
    %swap3A_1111 = arith.constant 656 : index
    %swap3A_1112 = tpu.vector_load %arg7[%swap3A_1111] {strides = array<i32>} : memref<1024xf32, #tpu.memory_space<vmem>>, vector<16xf32>,
    %swap3A_1113 = vector.shape_cast %swap3A_1112 : vector<16xf32> to vector<16xf32>
    %swap3A_1114 = vector.shape_cast %gather3A_1110 : vector<16xf32> to vector<16xf32>
    tpu.vector_store %arg7[%swap3A_1111], %swap3A_1114 {strides = array<i32>} : memref<1024xf32, #tpu.memory_space<vmem>>, vector<16xf32>,
    %get3A_1115 = arith.constant 672 : index
    %get3A_1116 = tpu.vector_load %arg6[%get3A_1115] {strides = array<i32>} : memref<2048xi32, #tpu.memory_space<vmem>>, vector<16xi32>,
    %get3A_1117 = vector.shape_cast %get3A_1116 : vector<16xi32> to vector<16xi32>
    %get3A_1118 = arith.constant 1696 : index
    %get3A_1119 = tpu.vector_load %arg6[%get3A_1118] {strides = array<i32>} : memref<2048xi32, #tpu.memory_space<vmem>>, vector<16xi32>,
    %get3A_1120 = vector.shape_cast %get3A_1119 : vector<16xi32> to vector<16xi32>
    %shift_left3A_1121 = arith.constant 2 : i32
    %shift_left3A_1122 = vector.broadcast %shift_left3A_1121 : i32 to vector<16xi32>
    %shift_left3A_1123 = arith.shli %get3A_1117, %shift_left3A_1122 : vector<16xi32>
    %add3A_1124 = arith.addi %shift_left3A_1123, %get3A_1120 : vector<16xi32>
    %lt3A_1125 = arith.constant 0 : i32
    %lt3A_1126 = vector.broadcast %lt3A_1125 : i32 to vector<16xi32>
    %lt3A_1127 = arith.cmpi slt, %add3A_1124, %lt3A_1126 : vector<16xi32>
    %add3A_1128 = arith.constant 16 : i32
    %add3A_1129 = vector.broadcast %add3A_1128 : i32 to vector<16xi32>
    %add3A_1130 = arith.addi %add3A_1124, %add3A_1129 : vector<16xi32>
    %select_n3A_1131 = arith.select %lt3A_1127, %add3A_1130, %add3A_1124 : vector<16xi1>, vector<16xi32>
    %broadcast_in_dim3A_1132 = vector.shape_cast %select_n3A_1131 : vector<16xi32> to vector<16x1xi32>
    %gather3A_1133 = vector.shape_cast %broadcast_in_dim3A_1132 : vector<16x1xi32> to vector<16xi32>
    %gather3A_1134 = tpu.dynamic_gather %add3A_90[%gather3A_1133] in [0] : vector<16xf32>, vector<16xi32> -> vector<16xf32>
    %swap3A_1135 = arith.constant 672 : index
    %swap3A_1136 = tpu.vector_load %arg7[%swap3A_1135] {strides = array<i32>} : memref<1024xf32, #tpu.memory_space<vmem>>, vector<16xf32>,
    %swap3A_1137 = vector.shape_cast %swap3A_1136 : vector<16xf32> to vector<16xf32>
    %swap3A_1138 = vector.shape_cast %gather3A_1134 : vector<16xf32> to vector<16xf32>
    tpu.vector_store %arg7[%swap3A_1135], %swap3A_1138 {strides = array<i32>} : memref<1024xf32, #tpu.memory_space<vmem>>, vector<16xf32>,
    %get3A_1139 = arith.constant 688 : index
    %get3A_1140 = tpu.vector_load %arg6[%get3A_1139] {strides = array<i32>} : memref<2048xi32, #tpu.memory_space<vmem>>, vector<16xi32>,
    %get3A_1141 = vector.shape_cast %get3A_1140 : vector<16xi32> to vector<16xi32>
    %get3A_1142 = arith.constant 1712 : index
    %get3A_1143 = tpu.vector_load %arg6[%get3A_1142] {strides = array<i32>} : memref<2048xi32, #tpu.memory_space<vmem>>, vector<16xi32>,
    %get3A_1144 = vector.shape_cast %get3A_1143 : vector<16xi32> to vector<16xi32>
    %shift_left3A_1145 = arith.constant 2 : i32
    %shift_left3A_1146 = vector.broadcast %shift_left3A_1145 : i32 to vector<16xi32>
    %shift_left3A_1147 = arith.shli %get3A_1141, %shift_left3A_1146 : vector<16xi32>
    %add3A_1148 = arith.addi %shift_left3A_1147, %get3A_1144 : vector<16xi32>
    %lt3A_1149 = arith.constant 0 : i32
    %lt3A_1150 = vector.broadcast %lt3A_1149 : i32 to vector<16xi32>
    %lt3A_1151 = arith.cmpi slt, %add3A_1148, %lt3A_1150 : vector<16xi32>
    %add3A_1152 = arith.constant 16 : i32
    %add3A_1153 = vector.broadcast %add3A_1152 : i32 to vector<16xi32>
    %add3A_1154 = arith.addi %add3A_1148, %add3A_1153 : vector<16xi32>
    %select_n3A_1155 = arith.select %lt3A_1151, %add3A_1154, %add3A_1148 : vector<16xi1>, vector<16xi32>
    %broadcast_in_dim3A_1156 = vector.shape_cast %select_n3A_1155 : vector<16xi32> to vector<16x1xi32>
    %gather3A_1157 = vector.shape_cast %broadcast_in_dim3A_1156 : vector<16x1xi32> to vector<16xi32>
    %gather3A_1158 = tpu.dynamic_gather %add3A_90[%gather3A_1157] in [0] : vector<16xf32>, vector<16xi32> -> vector<16xf32>
    %swap3A_1159 = arith.constant 688 : index
    %swap3A_1160 = tpu.vector_load %arg7[%swap3A_1159] {strides = array<i32>} : memref<1024xf32, #tpu.memory_space<vmem>>, vector<16xf32>,
    %swap3A_1161 = vector.shape_cast %swap3A_1160 : vector<16xf32> to vector<16xf32>
    %swap3A_1162 = vector.shape_cast %gather3A_1158 : vector<16xf32> to vector<16xf32>
    tpu.vector_store %arg7[%swap3A_1159], %swap3A_1162 {strides = array<i32>} : memref<1024xf32, #tpu.memory_space<vmem>>, vector<16xf32>,
    %get3A_1163 = arith.constant 704 : index
    %get3A_1164 = tpu.vector_load %arg6[%get3A_1163] {strides = array<i32>} : memref<2048xi32, #tpu.memory_space<vmem>>, vector<16xi32>,
    %get3A_1165 = vector.shape_cast %get3A_1164 : vector<16xi32> to vector<16xi32>
    %get3A_1166 = arith.constant 1728 : index
    %get3A_1167 = tpu.vector_load %arg6[%get3A_1166] {strides = array<i32>} : memref<2048xi32, #tpu.memory_space<vmem>>, vector<16xi32>,
    %get3A_1168 = vector.shape_cast %get3A_1167 : vector<16xi32> to vector<16xi32>
    %shift_left3A_1169 = arith.constant 2 : i32
    %shift_left3A_1170 = vector.broadcast %shift_left3A_1169 : i32 to vector<16xi32>
    %shift_left3A_1171 = arith.shli %get3A_1165, %shift_left3A_1170 : vector<16xi32>
    %add3A_1172 = arith.addi %shift_left3A_1171, %get3A_1168 : vector<16xi32>
    %lt3A_1173 = arith.constant 0 : i32
    %lt3A_1174 = vector.broadcast %lt3A_1173 : i32 to vector<16xi32>
    %lt3A_1175 = arith.cmpi slt, %add3A_1172, %lt3A_1174 : vector<16xi32>
    %add3A_1176 = arith.constant 16 : i32
    %add3A_1177 = vector.broadcast %add3A_1176 : i32 to vector<16xi32>
    %add3A_1178 = arith.addi %add3A_1172, %add3A_1177 : vector<16xi32>
    %select_n3A_1179 = arith.select %lt3A_1175, %add3A_1178, %add3A_1172 : vector<16xi1>, vector<16xi32>
    %broadcast_in_dim3A_1180 = vector.shape_cast %select_n3A_1179 : vector<16xi32> to vector<16x1xi32>
    %gather3A_1181 = vector.shape_cast %broadcast_in_dim3A_1180 : vector<16x1xi32> to vector<16xi32>
    %gather3A_1182 = tpu.dynamic_gather %add3A_90[%gather3A_1181] in [0] : vector<16xf32>, vector<16xi32> -> vector<16xf32>
    %swap3A_1183 = arith.constant 704 : index
    %swap3A_1184 = tpu.vector_load %arg7[%swap3A_1183] {strides = array<i32>} : memref<1024xf32, #tpu.memory_space<vmem>>, vector<16xf32>,
    %swap3A_1185 = vector.shape_cast %swap3A_1184 : vector<16xf32> to vector<16xf32>
    %swap3A_1186 = vector.shape_cast %gather3A_1182 : vector<16xf32> to vector<16xf32>
    tpu.vector_store %arg7[%swap3A_1183], %swap3A_1186 {strides = array<i32>} : memref<1024xf32, #tpu.memory_space<vmem>>, vector<16xf32>,
    %get3A_1187 = arith.constant 720 : index
    %get3A_1188 = tpu.vector_load %arg6[%get3A_1187] {strides = array<i32>} : memref<2048xi32, #tpu.memory_space<vmem>>, vector<16xi32>,
    %get3A_1189 = vector.shape_cast %get3A_1188 : vector<16xi32> to vector<16xi32>
    %get3A_1190 = arith.constant 1744 : index
    %get3A_1191 = tpu.vector_load %arg6[%get3A_1190] {strides = array<i32>} : memref<2048xi32, #tpu.memory_space<vmem>>, vector<16xi32>,
    %get3A_1192 = vector.shape_cast %get3A_1191 : vector<16xi32> to vector<16xi32>
    %shift_left3A_1193 = arith.constant 2 : i32
    %shift_left3A_1194 = vector.broadcast %shift_left3A_1193 : i32 to vector<16xi32>
    %shift_left3A_1195 = arith.shli %get3A_1189, %shift_left3A_1194 : vector<16xi32>
    %add3A_1196 = arith.addi %shift_left3A_1195, %get3A_1192 : vector<16xi32>
    %lt3A_1197 = arith.constant 0 : i32
    %lt3A_1198 = vector.broadcast %lt3A_1197 : i32 to vector<16xi32>
    %lt3A_1199 = arith.cmpi slt, %add3A_1196, %lt3A_1198 : vector<16xi32>
    %add3A_1200 = arith.constant 16 : i32
    %add3A_1201 = vector.broadcast %add3A_1200 : i32 to vector<16xi32>
    %add3A_1202 = arith.addi %add3A_1196, %add3A_1201 : vector<16xi32>
    %select_n3A_1203 = arith.select %lt3A_1199, %add3A_1202, %add3A_1196 : vector<16xi1>, vector<16xi32>
    %broadcast_in_dim3A_1204 = vector.shape_cast %select_n3A_1203 : vector<16xi32> to vector<16x1xi32>
    %gather3A_1205 = vector.shape_cast %broadcast_in_dim3A_1204 : vector<16x1xi32> to vector<16xi32>
    %gather3A_1206 = tpu.dynamic_gather %add3A_90[%gather3A_1205] in [0] : vector<16xf32>, vector<16xi32> -> vector<16xf32>
    %swap3A_1207 = arith.constant 720 : index
    %swap3A_1208 = tpu.vector_load %arg7[%swap3A_1207] {strides = array<i32>} : memref<1024xf32, #tpu.memory_space<vmem>>, vector<16xf32>,
    %swap3A_1209 = vector.shape_cast %swap3A_1208 : vector<16xf32> to vector<16xf32>
    %swap3A_1210 = vector.shape_cast %gather3A_1206 : vector<16xf32> to vector<16xf32>
    tpu.vector_store %arg7[%swap3A_1207], %swap3A_1210 {strides = array<i32>} : memref<1024xf32, #tpu.memory_space<vmem>>, vector<16xf32>,
    %get3A_1211 = arith.constant 736 : index
    %get3A_1212 = tpu.vector_load %arg6[%get3A_1211] {strides = array<i32>} : memref<2048xi32, #tpu.memory_space<vmem>>, vector<16xi32>,
    %get3A_1213 = vector.shape_cast %get3A_1212 : vector<16xi32> to vector<16xi32>
    %get3A_1214 = arith.constant 1760 : index
    %get3A_1215 = tpu.vector_load %arg6[%get3A_1214] {strides = array<i32>} : memref<2048xi32, #tpu.memory_space<vmem>>, vector<16xi32>,
    %get3A_1216 = vector.shape_cast %get3A_1215 : vector<16xi32> to vector<16xi32>
    %shift_left3A_1217 = arith.constant 2 : i32
    %shift_left3A_1218 = vector.broadcast %shift_left3A_1217 : i32 to vector<16xi32>
    %shift_left3A_1219 = arith.shli %get3A_1213, %shift_left3A_1218 : vector<16xi32>
    %add3A_1220 = arith.addi %shift_left3A_1219, %get3A_1216 : vector<16xi32>
    %lt3A_1221 = arith.constant 0 : i32
    %lt3A_1222 = vector.broadcast %lt3A_1221 : i32 to vector<16xi32>
    %lt3A_1223 = arith.cmpi slt, %add3A_1220, %lt3A_1222 : vector<16xi32>
    %add3A_1224 = arith.constant 16 : i32
    %add3A_1225 = vector.broadcast %add3A_1224 : i32 to vector<16xi32>
    %add3A_1226 = arith.addi %add3A_1220, %add3A_1225 : vector<16xi32>
    %select_n3A_1227 = arith.select %lt3A_1223, %add3A_1226, %add3A_1220 : vector<16xi1>, vector<16xi32>
    %broadcast_in_dim3A_1228 = vector.shape_cast %select_n3A_1227 : vector<16xi32> to vector<16x1xi32>
    %gather3A_1229 = vector.shape_cast %broadcast_in_dim3A_1228 : vector<16x1xi32> to vector<16xi32>
    %gather3A_1230 = tpu.dynamic_gather %add3A_90[%gather3A_1229] in [0] : vector<16xf32>, vector<16xi32> -> vector<16xf32>
    %swap3A_1231 = arith.constant 736 : index
    %swap3A_1232 = tpu.vector_load %arg7[%swap3A_1231] {strides = array<i32>} : memref<1024xf32, #tpu.memory_space<vmem>>, vector<16xf32>,
    %swap3A_1233 = vector.shape_cast %swap3A_1232 : vector<16xf32> to vector<16xf32>
    %swap3A_1234 = vector.shape_cast %gather3A_1230 : vector<16xf32> to vector<16xf32>
    tpu.vector_store %arg7[%swap3A_1231], %swap3A_1234 {strides = array<i32>} : memref<1024xf32, #tpu.memory_space<vmem>>, vector<16xf32>,
    %get3A_1235 = arith.constant 752 : index
    %get3A_1236 = tpu.vector_load %arg6[%get3A_1235] {strides = array<i32>} : memref<2048xi32, #tpu.memory_space<vmem>>, vector<16xi32>,
    %get3A_1237 = vector.shape_cast %get3A_1236 : vector<16xi32> to vector<16xi32>
    %get3A_1238 = arith.constant 1776 : index
    %get3A_1239 = tpu.vector_load %arg6[%get3A_1238] {strides = array<i32>} : memref<2048xi32, #tpu.memory_space<vmem>>, vector<16xi32>,
    %get3A_1240 = vector.shape_cast %get3A_1239 : vector<16xi32> to vector<16xi32>
    %shift_left3A_1241 = arith.constant 2 : i32
    %shift_left3A_1242 = vector.broadcast %shift_left3A_1241 : i32 to vector<16xi32>
    %shift_left3A_1243 = arith.shli %get3A_1237, %shift_left3A_1242 : vector<16xi32>
    %add3A_1244 = arith.addi %shift_left3A_1243, %get3A_1240 : vector<16xi32>
    %lt3A_1245 = arith.constant 0 : i32
    %lt3A_1246 = vector.broadcast %lt3A_1245 : i32 to vector<16xi32>
    %lt3A_1247 = arith.cmpi slt, %add3A_1244, %lt3A_1246 : vector<16xi32>
    %add3A_1248 = arith.constant 16 : i32
    %add3A_1249 = vector.broadcast %add3A_1248 : i32 to vector<16xi32>
    %add3A_1250 = arith.addi %add3A_1244, %add3A_1249 : vector<16xi32>
    %select_n3A_1251 = arith.select %lt3A_1247, %add3A_1250, %add3A_1244 : vector<16xi1>, vector<16xi32>
    %broadcast_in_dim3A_1252 = vector.shape_cast %select_n3A_1251 : vector<16xi32> to vector<16x1xi32>
    %gather3A_1253 = vector.shape_cast %broadcast_in_dim3A_1252 : vector<16x1xi32> to vector<16xi32>
    %gather3A_1254 = tpu.dynamic_gather %add3A_90[%gather3A_1253] in [0] : vector<16xf32>, vector<16xi32> -> vector<16xf32>
    %swap3A_1255 = arith.constant 752 : index
    %swap3A_1256 = tpu.vector_load %arg7[%swap3A_1255] {strides = array<i32>} : memref<1024xf32, #tpu.memory_space<vmem>>, vector<16xf32>,
    %swap3A_1257 = vector.shape_cast %swap3A_1256 : vector<16xf32> to vector<16xf32>
    %swap3A_1258 = vector.shape_cast %gather3A_1254 : vector<16xf32> to vector<16xf32>
    tpu.vector_store %arg7[%swap3A_1255], %swap3A_1258 {strides = array<i32>} : memref<1024xf32, #tpu.memory_space<vmem>>, vector<16xf32>,
    %get3A_1259 = arith.constant 768 : index
    %get3A_1260 = tpu.vector_load %arg6[%get3A_1259] {strides = array<i32>} : memref<2048xi32, #tpu.memory_space<vmem>>, vector<16xi32>,
    %get3A_1261 = vector.shape_cast %get3A_1260 : vector<16xi32> to vector<16xi32>
    %get3A_1262 = arith.constant 1792 : index
    %get3A_1263 = tpu.vector_load %arg6[%get3A_1262] {strides = array<i32>} : memref<2048xi32, #tpu.memory_space<vmem>>, vector<16xi32>,
    %get3A_1264 = vector.shape_cast %get3A_1263 : vector<16xi32> to vector<16xi32>
    %shift_left3A_1265 = arith.constant 2 : i32
    %shift_left3A_1266 = vector.broadcast %shift_left3A_1265 : i32 to vector<16xi32>
    %shift_left3A_1267 = arith.shli %get3A_1261, %shift_left3A_1266 : vector<16xi32>
    %add3A_1268 = arith.addi %shift_left3A_1267, %get3A_1264 : vector<16xi32>
    %lt3A_1269 = arith.constant 0 : i32
    %lt3A_1270 = vector.broadcast %lt3A_1269 : i32 to vector<16xi32>
    %lt3A_1271 = arith.cmpi slt, %add3A_1268, %lt3A_1270 : vector<16xi32>
    %add3A_1272 = arith.constant 16 : i32
    %add3A_1273 = vector.broadcast %add3A_1272 : i32 to vector<16xi32>
    %add3A_1274 = arith.addi %add3A_1268, %add3A_1273 : vector<16xi32>
    %select_n3A_1275 = arith.select %lt3A_1271, %add3A_1274, %add3A_1268 : vector<16xi1>, vector<16xi32>
    %broadcast_in_dim3A_1276 = vector.shape_cast %select_n3A_1275 : vector<16xi32> to vector<16x1xi32>
    %gather3A_1277 = vector.shape_cast %broadcast_in_dim3A_1276 : vector<16x1xi32> to vector<16xi32>
    %gather3A_1278 = tpu.dynamic_gather %add3A_90[%gather3A_1277] in [0] : vector<16xf32>, vector<16xi32> -> vector<16xf32>
    %swap3A_1279 = arith.constant 768 : index
    %swap3A_1280 = tpu.vector_load %arg7[%swap3A_1279] {strides = array<i32>} : memref<1024xf32, #tpu.memory_space<vmem>>, vector<16xf32>,
    %swap3A_1281 = vector.shape_cast %swap3A_1280 : vector<16xf32> to vector<16xf32>
    %swap3A_1282 = vector.shape_cast %gather3A_1278 : vector<16xf32> to vector<16xf32>
    tpu.vector_store %arg7[%swap3A_1279], %swap3A_1282 {strides = array<i32>} : memref<1024xf32, #tpu.memory_space<vmem>>, vector<16xf32>,
    %get3A_1283 = arith.constant 784 : index
    %get3A_1284 = tpu.vector_load %arg6[%get3A_1283] {strides = array<i32>} : memref<2048xi32, #tpu.memory_space<vmem>>, vector<16xi32>,
    %get3A_1285 = vector.shape_cast %get3A_1284 : vector<16xi32> to vector<16xi32>
    %get3A_1286 = arith.constant 1808 : index
    %get3A_1287 = tpu.vector_load %arg6[%get3A_1286] {strides = array<i32>} : memref<2048xi32, #tpu.memory_space<vmem>>, vector<16xi32>,
    %get3A_1288 = vector.shape_cast %get3A_1287 : vector<16xi32> to vector<16xi32>
    %shift_left3A_1289 = arith.constant 2 : i32
    %shift_left3A_1290 = vector.broadcast %shift_left3A_1289 : i32 to vector<16xi32>
    %shift_left3A_1291 = arith.shli %get3A_1285, %shift_left3A_1290 : vector<16xi32>
    %add3A_1292 = arith.addi %shift_left3A_1291, %get3A_1288 : vector<16xi32>
    %lt3A_1293 = arith.constant 0 : i32
    %lt3A_1294 = vector.broadcast %lt3A_1293 : i32 to vector<16xi32>
    %lt3A_1295 = arith.cmpi slt, %add3A_1292, %lt3A_1294 : vector<16xi32>
    %add3A_1296 = arith.constant 16 : i32
    %add3A_1297 = vector.broadcast %add3A_1296 : i32 to vector<16xi32>
    %add3A_1298 = arith.addi %add3A_1292, %add3A_1297 : vector<16xi32>
    %select_n3A_1299 = arith.select %lt3A_1295, %add3A_1298, %add3A_1292 : vector<16xi1>, vector<16xi32>
    %broadcast_in_dim3A_1300 = vector.shape_cast %select_n3A_1299 : vector<16xi32> to vector<16x1xi32>
    %gather3A_1301 = vector.shape_cast %broadcast_in_dim3A_1300 : vector<16x1xi32> to vector<16xi32>
    %gather3A_1302 = tpu.dynamic_gather %add3A_90[%gather3A_1301] in [0] : vector<16xf32>, vector<16xi32> -> vector<16xf32>
    %swap3A_1303 = arith.constant 784 : index
    %swap3A_1304 = tpu.vector_load %arg7[%swap3A_1303] {strides = array<i32>} : memref<1024xf32, #tpu.memory_space<vmem>>, vector<16xf32>,
    %swap3A_1305 = vector.shape_cast %swap3A_1304 : vector<16xf32> to vector<16xf32>
    %swap3A_1306 = vector.shape_cast %gather3A_1302 : vector<16xf32> to vector<16xf32>
    tpu.vector_store %arg7[%swap3A_1303], %swap3A_1306 {strides = array<i32>} : memref<1024xf32, #tpu.memory_space<vmem>>, vector<16xf32>,
    %get3A_1307 = arith.constant 800 : index
    %get3A_1308 = tpu.vector_load %arg6[%get3A_1307] {strides = array<i32>} : memref<2048xi32, #tpu.memory_space<vmem>>, vector<16xi32>,
    %get3A_1309 = vector.shape_cast %get3A_1308 : vector<16xi32> to vector<16xi32>
    %get3A_1310 = arith.constant 1824 : index
    %get3A_1311 = tpu.vector_load %arg6[%get3A_1310] {strides = array<i32>} : memref<2048xi32, #tpu.memory_space<vmem>>, vector<16xi32>,
    %get3A_1312 = vector.shape_cast %get3A_1311 : vector<16xi32> to vector<16xi32>
    %shift_left3A_1313 = arith.constant 2 : i32
    %shift_left3A_1314 = vector.broadcast %shift_left3A_1313 : i32 to vector<16xi32>
    %shift_left3A_1315 = arith.shli %get3A_1309, %shift_left3A_1314 : vector<16xi32>
    %add3A_1316 = arith.addi %shift_left3A_1315, %get3A_1312 : vector<16xi32>
    %lt3A_1317 = arith.constant 0 : i32
    %lt3A_1318 = vector.broadcast %lt3A_1317 : i32 to vector<16xi32>
    %lt3A_1319 = arith.cmpi slt, %add3A_1316, %lt3A_1318 : vector<16xi32>
    %add3A_1320 = arith.constant 16 : i32
    %add3A_1321 = vector.broadcast %add3A_1320 : i32 to vector<16xi32>
    %add3A_1322 = arith.addi %add3A_1316, %add3A_1321 : vector<16xi32>
    %select_n3A_1323 = arith.select %lt3A_1319, %add3A_1322, %add3A_1316 : vector<16xi1>, vector<16xi32>
    %broadcast_in_dim3A_1324 = vector.shape_cast %select_n3A_1323 : vector<16xi32> to vector<16x1xi32>
    %gather3A_1325 = vector.shape_cast %broadcast_in_dim3A_1324 : vector<16x1xi32> to vector<16xi32>
    %gather3A_1326 = tpu.dynamic_gather %add3A_90[%gather3A_1325] in [0] : vector<16xf32>, vector<16xi32> -> vector<16xf32>
    %swap3A_1327 = arith.constant 800 : index
    %swap3A_1328 = tpu.vector_load %arg7[%swap3A_1327] {strides = array<i32>} : memref<1024xf32, #tpu.memory_space<vmem>>, vector<16xf32>,
    %swap3A_1329 = vector.shape_cast %swap3A_1328 : vector<16xf32> to vector<16xf32>
    %swap3A_1330 = vector.shape_cast %gather3A_1326 : vector<16xf32> to vector<16xf32>
    tpu.vector_store %arg7[%swap3A_1327], %swap3A_1330 {strides = array<i32>} : memref<1024xf32, #tpu.memory_space<vmem>>, vector<16xf32>,
    %get3A_1331 = arith.constant 816 : index
    %get3A_1332 = tpu.vector_load %arg6[%get3A_1331] {strides = array<i32>} : memref<2048xi32, #tpu.memory_space<vmem>>, vector<16xi32>,
    %get3A_1333 = vector.shape_cast %get3A_1332 : vector<16xi32> to vector<16xi32>
    %get3A_1334 = arith.constant 1840 : index
    %get3A_1335 = tpu.vector_load %arg6[%get3A_1334] {strides = array<i32>} : memref<2048xi32, #tpu.memory_space<vmem>>, vector<16xi32>,
    %get3A_1336 = vector.shape_cast %get3A_1335 : vector<16xi32> to vector<16xi32>
    %shift_left3A_1337 = arith.constant 2 : i32
    %shift_left3A_1338 = vector.broadcast %shift_left3A_1337 : i32 to vector<16xi32>
    %shift_left3A_1339 = arith.shli %get3A_1333, %shift_left3A_1338 : vector<16xi32>
    %add3A_1340 = arith.addi %shift_left3A_1339, %get3A_1336 : vector<16xi32>
    %lt3A_1341 = arith.constant 0 : i32
    %lt3A_1342 = vector.broadcast %lt3A_1341 : i32 to vector<16xi32>
    %lt3A_1343 = arith.cmpi slt, %add3A_1340, %lt3A_1342 : vector<16xi32>
    %add3A_1344 = arith.constant 16 : i32
    %add3A_1345 = vector.broadcast %add3A_1344 : i32 to vector<16xi32>
    %add3A_1346 = arith.addi %add3A_1340, %add3A_1345 : vector<16xi32>
    %select_n3A_1347 = arith.select %lt3A_1343, %add3A_1346, %add3A_1340 : vector<16xi1>, vector<16xi32>
    %broadcast_in_dim3A_1348 = vector.shape_cast %select_n3A_1347 : vector<16xi32> to vector<16x1xi32>
    %gather3A_1349 = vector.shape_cast %broadcast_in_dim3A_1348 : vector<16x1xi32> to vector<16xi32>
    %gather3A_1350 = tpu.dynamic_gather %add3A_90[%gather3A_1349] in [0] : vector<16xf32>, vector<16xi32> -> vector<16xf32>
    %swap3A_1351 = arith.constant 816 : index
    %swap3A_1352 = tpu.vector_load %arg7[%swap3A_1351] {strides = array<i32>} : memref<1024xf32, #tpu.memory_space<vmem>>, vector<16xf32>,
    %swap3A_1353 = vector.shape_cast %swap3A_1352 : vector<16xf32> to vector<16xf32>
    %swap3A_1354 = vector.shape_cast %gather3A_1350 : vector<16xf32> to vector<16xf32>
    tpu.vector_store %arg7[%swap3A_1351], %swap3A_1354 {strides = array<i32>} : memref<1024xf32, #tpu.memory_space<vmem>>, vector<16xf32>,
    %get3A_1355 = arith.constant 832 : index
    %get3A_1356 = tpu.vector_load %arg6[%get3A_1355] {strides = array<i32>} : memref<2048xi32, #tpu.memory_space<vmem>>, vector<16xi32>,
    %get3A_1357 = vector.shape_cast %get3A_1356 : vector<16xi32> to vector<16xi32>
    %get3A_1358 = arith.constant 1856 : index
    %get3A_1359 = tpu.vector_load %arg6[%get3A_1358] {strides = array<i32>} : memref<2048xi32, #tpu.memory_space<vmem>>, vector<16xi32>,
    %get3A_1360 = vector.shape_cast %get3A_1359 : vector<16xi32> to vector<16xi32>
    %shift_left3A_1361 = arith.constant 2 : i32
    %shift_left3A_1362 = vector.broadcast %shift_left3A_1361 : i32 to vector<16xi32>
    %shift_left3A_1363 = arith.shli %get3A_1357, %shift_left3A_1362 : vector<16xi32>
    %add3A_1364 = arith.addi %shift_left3A_1363, %get3A_1360 : vector<16xi32>
    %lt3A_1365 = arith.constant 0 : i32
    %lt3A_1366 = vector.broadcast %lt3A_1365 : i32 to vector<16xi32>
    %lt3A_1367 = arith.cmpi slt, %add3A_1364, %lt3A_1366 : vector<16xi32>
    %add3A_1368 = arith.constant 16 : i32
    %add3A_1369 = vector.broadcast %add3A_1368 : i32 to vector<16xi32>
    %add3A_1370 = arith.addi %add3A_1364, %add3A_1369 : vector<16xi32>
    %select_n3A_1371 = arith.select %lt3A_1367, %add3A_1370, %add3A_1364 : vector<16xi1>, vector<16xi32>
    %broadcast_in_dim3A_1372 = vector.shape_cast %select_n3A_1371 : vector<16xi32> to vector<16x1xi32>
    %gather3A_1373 = vector.shape_cast %broadcast_in_dim3A_1372 : vector<16x1xi32> to vector<16xi32>
    %gather3A_1374 = tpu.dynamic_gather %add3A_90[%gather3A_1373] in [0] : vector<16xf32>, vector<16xi32> -> vector<16xf32>
    %swap3A_1375 = arith.constant 832 : index
    %swap3A_1376 = tpu.vector_load %arg7[%swap3A_1375] {strides = array<i32>} : memref<1024xf32, #tpu.memory_space<vmem>>, vector<16xf32>,
    %swap3A_1377 = vector.shape_cast %swap3A_1376 : vector<16xf32> to vector<16xf32>
    %swap3A_1378 = vector.shape_cast %gather3A_1374 : vector<16xf32> to vector<16xf32>
    tpu.vector_store %arg7[%swap3A_1375], %swap3A_1378 {strides = array<i32>} : memref<1024xf32, #tpu.memory_space<vmem>>, vector<16xf32>,
    %get3A_1379 = arith.constant 848 : index
    %get3A_1380 = tpu.vector_load %arg6[%get3A_1379] {strides = array<i32>} : memref<2048xi32, #tpu.memory_space<vmem>>, vector<16xi32>,
    %get3A_1381 = vector.shape_cast %get3A_1380 : vector<16xi32> to vector<16xi32>
    %get3A_1382 = arith.constant 1872 : index
    %get3A_1383 = tpu.vector_load %arg6[%get3A_1382] {strides = array<i32>} : memref<2048xi32, #tpu.memory_space<vmem>>, vector<16xi32>,
    %get3A_1384 = vector.shape_cast %get3A_1383 : vector<16xi32> to vector<16xi32>
    %shift_left3A_1385 = arith.constant 2 : i32
    %shift_left3A_1386 = vector.broadcast %shift_left3A_1385 : i32 to vector<16xi32>
    %shift_left3A_1387 = arith.shli %get3A_1381, %shift_left3A_1386 : vector<16xi32>
    %add3A_1388 = arith.addi %shift_left3A_1387, %get3A_1384 : vector<16xi32>
    %lt3A_1389 = arith.constant 0 : i32
    %lt3A_1390 = vector.broadcast %lt3A_1389 : i32 to vector<16xi32>
    %lt3A_1391 = arith.cmpi slt, %add3A_1388, %lt3A_1390 : vector<16xi32>
    %add3A_1392 = arith.constant 16 : i32
    %add3A_1393 = vector.broadcast %add3A_1392 : i32 to vector<16xi32>
    %add3A_1394 = arith.addi %add3A_1388, %add3A_1393 : vector<16xi32>
    %select_n3A_1395 = arith.select %lt3A_1391, %add3A_1394, %add3A_1388 : vector<16xi1>, vector<16xi32>
    %broadcast_in_dim3A_1396 = vector.shape_cast %select_n3A_1395 : vector<16xi32> to vector<16x1xi32>
    %gather3A_1397 = vector.shape_cast %broadcast_in_dim3A_1396 : vector<16x1xi32> to vector<16xi32>
    %gather3A_1398 = tpu.dynamic_gather %add3A_90[%gather3A_1397] in [0] : vector<16xf32>, vector<16xi32> -> vector<16xf32>
    %swap3A_1399 = arith.constant 848 : index
    %swap3A_1400 = tpu.vector_load %arg7[%swap3A_1399] {strides = array<i32>} : memref<1024xf32, #tpu.memory_space<vmem>>, vector<16xf32>,
    %swap3A_1401 = vector.shape_cast %swap3A_1400 : vector<16xf32> to vector<16xf32>
    %swap3A_1402 = vector.shape_cast %gather3A_1398 : vector<16xf32> to vector<16xf32>
    tpu.vector_store %arg7[%swap3A_1399], %swap3A_1402 {strides = array<i32>} : memref<1024xf32, #tpu.memory_space<vmem>>, vector<16xf32>,
    %get3A_1403 = arith.constant 864 : index
    %get3A_1404 = tpu.vector_load %arg6[%get3A_1403] {strides = array<i32>} : memref<2048xi32, #tpu.memory_space<vmem>>, vector<16xi32>,
    %get3A_1405 = vector.shape_cast %get3A_1404 : vector<16xi32> to vector<16xi32>
    %get3A_1406 = arith.constant 1888 : index
    %get3A_1407 = tpu.vector_load %arg6[%get3A_1406] {strides = array<i32>} : memref<2048xi32, #tpu.memory_space<vmem>>, vector<16xi32>,
    %get3A_1408 = vector.shape_cast %get3A_1407 : vector<16xi32> to vector<16xi32>
    %shift_left3A_1409 = arith.constant 2 : i32
    %shift_left3A_1410 = vector.broadcast %shift_left3A_1409 : i32 to vector<16xi32>
    %shift_left3A_1411 = arith.shli %get3A_1405, %shift_left3A_1410 : vector<16xi32>
    %add3A_1412 = arith.addi %shift_left3A_1411, %get3A_1408 : vector<16xi32>
    %lt3A_1413 = arith.constant 0 : i32
    %lt3A_1414 = vector.broadcast %lt3A_1413 : i32 to vector<16xi32>
    %lt3A_1415 = arith.cmpi slt, %add3A_1412, %lt3A_1414 : vector<16xi32>
    %add3A_1416 = arith.constant 16 : i32
    %add3A_1417 = vector.broadcast %add3A_1416 : i32 to vector<16xi32>
    %add3A_1418 = arith.addi %add3A_1412, %add3A_1417 : vector<16xi32>
    %select_n3A_1419 = arith.select %lt3A_1415, %add3A_1418, %add3A_1412 : vector<16xi1>, vector<16xi32>
    %broadcast_in_dim3A_1420 = vector.shape_cast %select_n3A_1419 : vector<16xi32> to vector<16x1xi32>
    %gather3A_1421 = vector.shape_cast %broadcast_in_dim3A_1420 : vector<16x1xi32> to vector<16xi32>
    %gather3A_1422 = tpu.dynamic_gather %add3A_90[%gather3A_1421] in [0] : vector<16xf32>, vector<16xi32> -> vector<16xf32>
    %swap3A_1423 = arith.constant 864 : index
    %swap3A_1424 = tpu.vector_load %arg7[%swap3A_1423] {strides = array<i32>} : memref<1024xf32, #tpu.memory_space<vmem>>, vector<16xf32>,
    %swap3A_1425 = vector.shape_cast %swap3A_1424 : vector<16xf32> to vector<16xf32>
    %swap3A_1426 = vector.shape_cast %gather3A_1422 : vector<16xf32> to vector<16xf32>
    tpu.vector_store %arg7[%swap3A_1423], %swap3A_1426 {strides = array<i32>} : memref<1024xf32, #tpu.memory_space<vmem>>, vector<16xf32>,
    %get3A_1427 = arith.constant 880 : index
    %get3A_1428 = tpu.vector_load %arg6[%get3A_1427] {strides = array<i32>} : memref<2048xi32, #tpu.memory_space<vmem>>, vector<16xi32>,
    %get3A_1429 = vector.shape_cast %get3A_1428 : vector<16xi32> to vector<16xi32>
    %get3A_1430 = arith.constant 1904 : index
    %get3A_1431 = tpu.vector_load %arg6[%get3A_1430] {strides = array<i32>} : memref<2048xi32, #tpu.memory_space<vmem>>, vector<16xi32>,
    %get3A_1432 = vector.shape_cast %get3A_1431 : vector<16xi32> to vector<16xi32>
    %shift_left3A_1433 = arith.constant 2 : i32
    %shift_left3A_1434 = vector.broadcast %shift_left3A_1433 : i32 to vector<16xi32>
    %shift_left3A_1435 = arith.shli %get3A_1429, %shift_left3A_1434 : vector<16xi32>
    %add3A_1436 = arith.addi %shift_left3A_1435, %get3A_1432 : vector<16xi32>
    %lt3A_1437 = arith.constant 0 : i32
    %lt3A_1438 = vector.broadcast %lt3A_1437 : i32 to vector<16xi32>
    %lt3A_1439 = arith.cmpi slt, %add3A_1436, %lt3A_1438 : vector<16xi32>
    %add3A_1440 = arith.constant 16 : i32
    %add3A_1441 = vector.broadcast %add3A_1440 : i32 to vector<16xi32>
    %add3A_1442 = arith.addi %add3A_1436, %add3A_1441 : vector<16xi32>
    %select_n3A_1443 = arith.select %lt3A_1439, %add3A_1442, %add3A_1436 : vector<16xi1>, vector<16xi32>
    %broadcast_in_dim3A_1444 = vector.shape_cast %select_n3A_1443 : vector<16xi32> to vector<16x1xi32>
    %gather3A_1445 = vector.shape_cast %broadcast_in_dim3A_1444 : vector<16x1xi32> to vector<16xi32>
    %gather3A_1446 = tpu.dynamic_gather %add3A_90[%gather3A_1445] in [0] : vector<16xf32>, vector<16xi32> -> vector<16xf32>
    %swap3A_1447 = arith.constant 880 : index
    %swap3A_1448 = tpu.vector_load %arg7[%swap3A_1447] {strides = array<i32>} : memref<1024xf32, #tpu.memory_space<vmem>>, vector<16xf32>,
    %swap3A_1449 = vector.shape_cast %swap3A_1448 : vector<16xf32> to vector<16xf32>
    %swap3A_1450 = vector.shape_cast %gather3A_1446 : vector<16xf32> to vector<16xf32>
    tpu.vector_store %arg7[%swap3A_1447], %swap3A_1450 {strides = array<i32>} : memref<1024xf32, #tpu.memory_space<vmem>>, vector<16xf32>,
    %get3A_1451 = arith.constant 896 : index
    %get3A_1452 = tpu.vector_load %arg6[%get3A_1451] {strides = array<i32>} : memref<2048xi32, #tpu.memory_space<vmem>>, vector<16xi32>,
    %get3A_1453 = vector.shape_cast %get3A_1452 : vector<16xi32> to vector<16xi32>
    %get3A_1454 = arith.constant 1920 : index
    %get3A_1455 = tpu.vector_load %arg6[%get3A_1454] {strides = array<i32>} : memref<2048xi32, #tpu.memory_space<vmem>>, vector<16xi32>,
    %get3A_1456 = vector.shape_cast %get3A_1455 : vector<16xi32> to vector<16xi32>
    %shift_left3A_1457 = arith.constant 2 : i32
    %shift_left3A_1458 = vector.broadcast %shift_left3A_1457 : i32 to vector<16xi32>
    %shift_left3A_1459 = arith.shli %get3A_1453, %shift_left3A_1458 : vector<16xi32>
    %add3A_1460 = arith.addi %shift_left3A_1459, %get3A_1456 : vector<16xi32>
    %lt3A_1461 = arith.constant 0 : i32
    %lt3A_1462 = vector.broadcast %lt3A_1461 : i32 to vector<16xi32>
    %lt3A_1463 = arith.cmpi slt, %add3A_1460, %lt3A_1462 : vector<16xi32>
    %add3A_1464 = arith.constant 16 : i32
    %add3A_1465 = vector.broadcast %add3A_1464 : i32 to vector<16xi32>
    %add3A_1466 = arith.addi %add3A_1460, %add3A_1465 : vector<16xi32>
    %select_n3A_1467 = arith.select %lt3A_1463, %add3A_1466, %add3A_1460 : vector<16xi1>, vector<16xi32>
    %broadcast_in_dim3A_1468 = vector.shape_cast %select_n3A_1467 : vector<16xi32> to vector<16x1xi32>
    %gather3A_1469 = vector.shape_cast %broadcast_in_dim3A_1468 : vector<16x1xi32> to vector<16xi32>
    %gather3A_1470 = tpu.dynamic_gather %add3A_90[%gather3A_1469] in [0] : vector<16xf32>, vector<16xi32> -> vector<16xf32>
    %swap3A_1471 = arith.constant 896 : index
    %swap3A_1472 = tpu.vector_load %arg7[%swap3A_1471] {strides = array<i32>} : memref<1024xf32, #tpu.memory_space<vmem>>, vector<16xf32>,
    %swap3A_1473 = vector.shape_cast %swap3A_1472 : vector<16xf32> to vector<16xf32>
    %swap3A_1474 = vector.shape_cast %gather3A_1470 : vector<16xf32> to vector<16xf32>
    tpu.vector_store %arg7[%swap3A_1471], %swap3A_1474 {strides = array<i32>} : memref<1024xf32, #tpu.memory_space<vmem>>, vector<16xf32>,
    %get3A_1475 = arith.constant 912 : index
    %get3A_1476 = tpu.vector_load %arg6[%get3A_1475] {strides = array<i32>} : memref<2048xi32, #tpu.memory_space<vmem>>, vector<16xi32>,
    %get3A_1477 = vector.shape_cast %get3A_1476 : vector<16xi32> to vector<16xi32>
    %get3A_1478 = arith.constant 1936 : index
    %get3A_1479 = tpu.vector_load %arg6[%get3A_1478] {strides = array<i32>} : memref<2048xi32, #tpu.memory_space<vmem>>, vector<16xi32>,
    %get3A_1480 = vector.shape_cast %get3A_1479 : vector<16xi32> to vector<16xi32>
    %shift_left3A_1481 = arith.constant 2 : i32
    %shift_left3A_1482 = vector.broadcast %shift_left3A_1481 : i32 to vector<16xi32>
    %shift_left3A_1483 = arith.shli %get3A_1477, %shift_left3A_1482 : vector<16xi32>
    %add3A_1484 = arith.addi %shift_left3A_1483, %get3A_1480 : vector<16xi32>
    %lt3A_1485 = arith.constant 0 : i32
    %lt3A_1486 = vector.broadcast %lt3A_1485 : i32 to vector<16xi32>
    %lt3A_1487 = arith.cmpi slt, %add3A_1484, %lt3A_1486 : vector<16xi32>
    %add3A_1488 = arith.constant 16 : i32
    %add3A_1489 = vector.broadcast %add3A_1488 : i32 to vector<16xi32>
    %add3A_1490 = arith.addi %add3A_1484, %add3A_1489 : vector<16xi32>
    %select_n3A_1491 = arith.select %lt3A_1487, %add3A_1490, %add3A_1484 : vector<16xi1>, vector<16xi32>
    %broadcast_in_dim3A_1492 = vector.shape_cast %select_n3A_1491 : vector<16xi32> to vector<16x1xi32>
    %gather3A_1493 = vector.shape_cast %broadcast_in_dim3A_1492 : vector<16x1xi32> to vector<16xi32>
    %gather3A_1494 = tpu.dynamic_gather %add3A_90[%gather3A_1493] in [0] : vector<16xf32>, vector<16xi32> -> vector<16xf32>
    %swap3A_1495 = arith.constant 912 : index
    %swap3A_1496 = tpu.vector_load %arg7[%swap3A_1495] {strides = array<i32>} : memref<1024xf32, #tpu.memory_space<vmem>>, vector<16xf32>,
    %swap3A_1497 = vector.shape_cast %swap3A_1496 : vector<16xf32> to vector<16xf32>
    %swap3A_1498 = vector.shape_cast %gather3A_1494 : vector<16xf32> to vector<16xf32>
    tpu.vector_store %arg7[%swap3A_1495], %swap3A_1498 {strides = array<i32>} : memref<1024xf32, #tpu.memory_space<vmem>>, vector<16xf32>,
    %get3A_1499 = arith.constant 928 : index
    %get3A_1500 = tpu.vector_load %arg6[%get3A_1499] {strides = array<i32>} : memref<2048xi32, #tpu.memory_space<vmem>>, vector<16xi32>,
    %get3A_1501 = vector.shape_cast %get3A_1500 : vector<16xi32> to vector<16xi32>
    %get3A_1502 = arith.constant 1952 : index
    %get3A_1503 = tpu.vector_load %arg6[%get3A_1502] {strides = array<i32>} : memref<2048xi32, #tpu.memory_space<vmem>>, vector<16xi32>,
    %get3A_1504 = vector.shape_cast %get3A_1503 : vector<16xi32> to vector<16xi32>
    %shift_left3A_1505 = arith.constant 2 : i32
    %shift_left3A_1506 = vector.broadcast %shift_left3A_1505 : i32 to vector<16xi32>
    %shift_left3A_1507 = arith.shli %get3A_1501, %shift_left3A_1506 : vector<16xi32>
    %add3A_1508 = arith.addi %shift_left3A_1507, %get3A_1504 : vector<16xi32>
    %lt3A_1509 = arith.constant 0 : i32
    %lt3A_1510 = vector.broadcast %lt3A_1509 : i32 to vector<16xi32>
    %lt3A_1511 = arith.cmpi slt, %add3A_1508, %lt3A_1510 : vector<16xi32>
    %add3A_1512 = arith.constant 16 : i32
    %add3A_1513 = vector.broadcast %add3A_1512 : i32 to vector<16xi32>
    %add3A_1514 = arith.addi %add3A_1508, %add3A_1513 : vector<16xi32>
    %select_n3A_1515 = arith.select %lt3A_1511, %add3A_1514, %add3A_1508 : vector<16xi1>, vector<16xi32>
    %broadcast_in_dim3A_1516 = vector.shape_cast %select_n3A_1515 : vector<16xi32> to vector<16x1xi32>
    %gather3A_1517 = vector.shape_cast %broadcast_in_dim3A_1516 : vector<16x1xi32> to vector<16xi32>
    %gather3A_1518 = tpu.dynamic_gather %add3A_90[%gather3A_1517] in [0] : vector<16xf32>, vector<16xi32> -> vector<16xf32>
    %swap3A_1519 = arith.constant 928 : index
    %swap3A_1520 = tpu.vector_load %arg7[%swap3A_1519] {strides = array<i32>} : memref<1024xf32, #tpu.memory_space<vmem>>, vector<16xf32>,
    %swap3A_1521 = vector.shape_cast %swap3A_1520 : vector<16xf32> to vector<16xf32>
    %swap3A_1522 = vector.shape_cast %gather3A_1518 : vector<16xf32> to vector<16xf32>
    tpu.vector_store %arg7[%swap3A_1519], %swap3A_1522 {strides = array<i32>} : memref<1024xf32, #tpu.memory_space<vmem>>, vector<16xf32>,
    %get3A_1523 = arith.constant 944 : index
    %get3A_1524 = tpu.vector_load %arg6[%get3A_1523] {strides = array<i32>} : memref<2048xi32, #tpu.memory_space<vmem>>, vector<16xi32>,
    %get3A_1525 = vector.shape_cast %get3A_1524 : vector<16xi32> to vector<16xi32>
    %get3A_1526 = arith.constant 1968 : index
    %get3A_1527 = tpu.vector_load %arg6[%get3A_1526] {strides = array<i32>} : memref<2048xi32, #tpu.memory_space<vmem>>, vector<16xi32>,
    %get3A_1528 = vector.shape_cast %get3A_1527 : vector<16xi32> to vector<16xi32>
    %shift_left3A_1529 = arith.constant 2 : i32
    %shift_left3A_1530 = vector.broadcast %shift_left3A_1529 : i32 to vector<16xi32>
    %shift_left3A_1531 = arith.shli %get3A_1525, %shift_left3A_1530 : vector<16xi32>
    %add3A_1532 = arith.addi %shift_left3A_1531, %get3A_1528 : vector<16xi32>
    %lt3A_1533 = arith.constant 0 : i32
    %lt3A_1534 = vector.broadcast %lt3A_1533 : i32 to vector<16xi32>
    %lt3A_1535 = arith.cmpi slt, %add3A_1532, %lt3A_1534 : vector<16xi32>
    %add3A_1536 = arith.constant 16 : i32
    %add3A_1537 = vector.broadcast %add3A_1536 : i32 to vector<16xi32>
    %add3A_1538 = arith.addi %add3A_1532, %add3A_1537 : vector<16xi32>
    %select_n3A_1539 = arith.select %lt3A_1535, %add3A_1538, %add3A_1532 : vector<16xi1>, vector<16xi32>
    %broadcast_in_dim3A_1540 = vector.shape_cast %select_n3A_1539 : vector<16xi32> to vector<16x1xi32>
    %gather3A_1541 = vector.shape_cast %broadcast_in_dim3A_1540 : vector<16x1xi32> to vector<16xi32>
    %gather3A_1542 = tpu.dynamic_gather %add3A_90[%gather3A_1541] in [0] : vector<16xf32>, vector<16xi32> -> vector<16xf32>
    %swap3A_1543 = arith.constant 944 : index
    %swap3A_1544 = tpu.vector_load %arg7[%swap3A_1543] {strides = array<i32>} : memref<1024xf32, #tpu.memory_space<vmem>>, vector<16xf32>,
    %swap3A_1545 = vector.shape_cast %swap3A_1544 : vector<16xf32> to vector<16xf32>
    %swap3A_1546 = vector.shape_cast %gather3A_1542 : vector<16xf32> to vector<16xf32>
    tpu.vector_store %arg7[%swap3A_1543], %swap3A_1546 {strides = array<i32>} : memref<1024xf32, #tpu.memory_space<vmem>>, vector<16xf32>,
    %get3A_1547 = arith.constant 960 : index
    %get3A_1548 = tpu.vector_load %arg6[%get3A_1547] {strides = array<i32>} : memref<2048xi32, #tpu.memory_space<vmem>>, vector<16xi32>,
    %get3A_1549 = vector.shape_cast %get3A_1548 : vector<16xi32> to vector<16xi32>
    %get3A_1550 = arith.constant 1984 : index
    %get3A_1551 = tpu.vector_load %arg6[%get3A_1550] {strides = array<i32>} : memref<2048xi32, #tpu.memory_space<vmem>>, vector<16xi32>,
    %get3A_1552 = vector.shape_cast %get3A_1551 : vector<16xi32> to vector<16xi32>
    %shift_left3A_1553 = arith.constant 2 : i32
    %shift_left3A_1554 = vector.broadcast %shift_left3A_1553 : i32 to vector<16xi32>
    %shift_left3A_1555 = arith.shli %get3A_1549, %shift_left3A_1554 : vector<16xi32>
    %add3A_1556 = arith.addi %shift_left3A_1555, %get3A_1552 : vector<16xi32>
    %lt3A_1557 = arith.constant 0 : i32
    %lt3A_1558 = vector.broadcast %lt3A_1557 : i32 to vector<16xi32>
    %lt3A_1559 = arith.cmpi slt, %add3A_1556, %lt3A_1558 : vector<16xi32>
    %add3A_1560 = arith.constant 16 : i32
    %add3A_1561 = vector.broadcast %add3A_1560 : i32 to vector<16xi32>
    %add3A_1562 = arith.addi %add3A_1556, %add3A_1561 : vector<16xi32>
    %select_n3A_1563 = arith.select %lt3A_1559, %add3A_1562, %add3A_1556 : vector<16xi1>, vector<16xi32>
    %broadcast_in_dim3A_1564 = vector.shape_cast %select_n3A_1563 : vector<16xi32> to vector<16x1xi32>
    %gather3A_1565 = vector.shape_cast %broadcast_in_dim3A_1564 : vector<16x1xi32> to vector<16xi32>
    %gather3A_1566 = tpu.dynamic_gather %add3A_90[%gather3A_1565] in [0] : vector<16xf32>, vector<16xi32> -> vector<16xf32>
    %swap3A_1567 = arith.constant 960 : index
    %swap3A_1568 = tpu.vector_load %arg7[%swap3A_1567] {strides = array<i32>} : memref<1024xf32, #tpu.memory_space<vmem>>, vector<16xf32>,
    %swap3A_1569 = vector.shape_cast %swap3A_1568 : vector<16xf32> to vector<16xf32>
    %swap3A_1570 = vector.shape_cast %gather3A_1566 : vector<16xf32> to vector<16xf32>
    tpu.vector_store %arg7[%swap3A_1567], %swap3A_1570 {strides = array<i32>} : memref<1024xf32, #tpu.memory_space<vmem>>, vector<16xf32>,
    %get3A_1571 = arith.constant 976 : index
    %get3A_1572 = tpu.vector_load %arg6[%get3A_1571] {strides = array<i32>} : memref<2048xi32, #tpu.memory_space<vmem>>, vector<16xi32>,
    %get3A_1573 = vector.shape_cast %get3A_1572 : vector<16xi32> to vector<16xi32>
    %get3A_1574 = arith.constant 2000 : index
    %get3A_1575 = tpu.vector_load %arg6[%get3A_1574] {strides = array<i32>} : memref<2048xi32, #tpu.memory_space<vmem>>, vector<16xi32>,
    %get3A_1576 = vector.shape_cast %get3A_1575 : vector<16xi32> to vector<16xi32>
    %shift_left3A_1577 = arith.constant 2 : i32
    %shift_left3A_1578 = vector.broadcast %shift_left3A_1577 : i32 to vector<16xi32>
    %shift_left3A_1579 = arith.shli %get3A_1573, %shift_left3A_1578 : vector<16xi32>
    %add3A_1580 = arith.addi %shift_left3A_1579, %get3A_1576 : vector<16xi32>
    %lt3A_1581 = arith.constant 0 : i32
    %lt3A_1582 = vector.broadcast %lt3A_1581 : i32 to vector<16xi32>
    %lt3A_1583 = arith.cmpi slt, %add3A_1580, %lt3A_1582 : vector<16xi32>
    %add3A_1584 = arith.constant 16 : i32
    %add3A_1585 = vector.broadcast %add3A_1584 : i32 to vector<16xi32>
    %add3A_1586 = arith.addi %add3A_1580, %add3A_1585 : vector<16xi32>
    %select_n3A_1587 = arith.select %lt3A_1583, %add3A_1586, %add3A_1580 : vector<16xi1>, vector<16xi32>
    %broadcast_in_dim3A_1588 = vector.shape_cast %select_n3A_1587 : vector<16xi32> to vector<16x1xi32>
    %gather3A_1589 = vector.shape_cast %broadcast_in_dim3A_1588 : vector<16x1xi32> to vector<16xi32>
    %gather3A_1590 = tpu.dynamic_gather %add3A_90[%gather3A_1589] in [0] : vector<16xf32>, vector<16xi32> -> vector<16xf32>
    %swap3A_1591 = arith.constant 976 : index
    %swap3A_1592 = tpu.vector_load %arg7[%swap3A_1591] {strides = array<i32>} : memref<1024xf32, #tpu.memory_space<vmem>>, vector<16xf32>,
    %swap3A_1593 = vector.shape_cast %swap3A_1592 : vector<16xf32> to vector<16xf32>
    %swap3A_1594 = vector.shape_cast %gather3A_1590 : vector<16xf32> to vector<16xf32>
    tpu.vector_store %arg7[%swap3A_1591], %swap3A_1594 {strides = array<i32>} : memref<1024xf32, #tpu.memory_space<vmem>>, vector<16xf32>,
    %get3A_1595 = arith.constant 992 : index
    %get3A_1596 = tpu.vector_load %arg6[%get3A_1595] {strides = array<i32>} : memref<2048xi32, #tpu.memory_space<vmem>>, vector<16xi32>,
    %get3A_1597 = vector.shape_cast %get3A_1596 : vector<16xi32> to vector<16xi32>
    %get3A_1598 = arith.constant 2016 : index
    %get3A_1599 = tpu.vector_load %arg6[%get3A_1598] {strides = array<i32>} : memref<2048xi32, #tpu.memory_space<vmem>>, vector<16xi32>,
    %get3A_1600 = vector.shape_cast %get3A_1599 : vector<16xi32> to vector<16xi32>
    %shift_left3A_1601 = arith.constant 2 : i32
    %shift_left3A_1602 = vector.broadcast %shift_left3A_1601 : i32 to vector<16xi32>
    %shift_left3A_1603 = arith.shli %get3A_1597, %shift_left3A_1602 : vector<16xi32>
    %add3A_1604 = arith.addi %shift_left3A_1603, %get3A_1600 : vector<16xi32>
    %lt3A_1605 = arith.constant 0 : i32
    %lt3A_1606 = vector.broadcast %lt3A_1605 : i32 to vector<16xi32>
    %lt3A_1607 = arith.cmpi slt, %add3A_1604, %lt3A_1606 : vector<16xi32>
    %add3A_1608 = arith.constant 16 : i32
    %add3A_1609 = vector.broadcast %add3A_1608 : i32 to vector<16xi32>
    %add3A_1610 = arith.addi %add3A_1604, %add3A_1609 : vector<16xi32>
    %select_n3A_1611 = arith.select %lt3A_1607, %add3A_1610, %add3A_1604 : vector<16xi1>, vector<16xi32>
    %broadcast_in_dim3A_1612 = vector.shape_cast %select_n3A_1611 : vector<16xi32> to vector<16x1xi32>
    %gather3A_1613 = vector.shape_cast %broadcast_in_dim3A_1612 : vector<16x1xi32> to vector<16xi32>
    %gather3A_1614 = tpu.dynamic_gather %add3A_90[%gather3A_1613] in [0] : vector<16xf32>, vector<16xi32> -> vector<16xf32>
    %swap3A_1615 = arith.constant 992 : index
    %swap3A_1616 = tpu.vector_load %arg7[%swap3A_1615] {strides = array<i32>} : memref<1024xf32, #tpu.memory_space<vmem>>, vector<16xf32>,
    %swap3A_1617 = vector.shape_cast %swap3A_1616 : vector<16xf32> to vector<16xf32>
    %swap3A_1618 = vector.shape_cast %gather3A_1614 : vector<16xf32> to vector<16xf32>
    tpu.vector_store %arg7[%swap3A_1615], %swap3A_1618 {strides = array<i32>} : memref<1024xf32, #tpu.memory_space<vmem>>, vector<16xf32>,
    %get3A_1619 = arith.constant 1008 : index
    %get3A_1620 = tpu.vector_load %arg6[%get3A_1619] {strides = array<i32>} : memref<2048xi32, #tpu.memory_space<vmem>>, vector<16xi32>,
    %get3A_1621 = vector.shape_cast %get3A_1620 : vector<16xi32> to vector<16xi32>
    %get3A_1622 = arith.constant 2032 : index
    %get3A_1623 = tpu.vector_load %arg6[%get3A_1622] {strides = array<i32>} : memref<2048xi32, #tpu.memory_space<vmem>>, vector<16xi32>,
    %get3A_1624 = vector.shape_cast %get3A_1623 : vector<16xi32> to vector<16xi32>
    %shift_left3A_1625 = arith.constant 2 : i32
    %shift_left3A_1626 = vector.broadcast %shift_left3A_1625 : i32 to vector<16xi32>
    %shift_left3A_1627 = arith.shli %get3A_1621, %shift_left3A_1626 : vector<16xi32>
    %add3A_1628 = arith.addi %shift_left3A_1627, %get3A_1624 : vector<16xi32>
    %lt3A_1629 = arith.constant 0 : i32
    %lt3A_1630 = vector.broadcast %lt3A_1629 : i32 to vector<16xi32>
    %lt3A_1631 = arith.cmpi slt, %add3A_1628, %lt3A_1630 : vector<16xi32>
    %add3A_1632 = arith.constant 16 : i32
    %add3A_1633 = vector.broadcast %add3A_1632 : i32 to vector<16xi32>
    %add3A_1634 = arith.addi %add3A_1628, %add3A_1633 : vector<16xi32>
    %select_n3A_1635 = arith.select %lt3A_1631, %add3A_1634, %add3A_1628 : vector<16xi1>, vector<16xi32>
    %broadcast_in_dim3A_1636 = vector.shape_cast %select_n3A_1635 : vector<16xi32> to vector<16x1xi32>
    %gather3A_1637 = vector.shape_cast %broadcast_in_dim3A_1636 : vector<16x1xi32> to vector<16xi32>
    %gather3A_1638 = tpu.dynamic_gather %add3A_90[%gather3A_1637] in [0] : vector<16xf32>, vector<16xi32> -> vector<16xf32>
    %swap3A_1639 = arith.constant 1008 : index
    %swap3A_1640 = tpu.vector_load %arg7[%swap3A_1639] {strides = array<i32>} : memref<1024xf32, #tpu.memory_space<vmem>>, vector<16xf32>,
    %swap3A_1641 = vector.shape_cast %swap3A_1640 : vector<16xf32> to vector<16xf32>
    %swap3A_1642 = vector.shape_cast %gather3A_1638 : vector<16xf32> to vector<16xf32>
    tpu.vector_store %arg7[%swap3A_1639], %swap3A_1642 {strides = array<i32>} : memref<1024xf32, #tpu.memory_space<vmem>>, vector<16xf32>,
    %add3A_1643 = arith.constant 512 : i32
    %add3A_1644 = arith.addi %mul3A_2, %add3A_1643 : i32
    %dma_start3A_1645 = arith.constant 512 : i32
    %dma_start3A_1646 = tpu.memref_slice %arg7[%dma_start3A_1645] : memref<1024xf32, #tpu.memory_space<vmem>> -> memref<512xf32, #tpu.memory_space<vmem>>
    %dma_start3A_1647 = tpu.memref_slice %arg5[%add3A_1644] : memref<16384xf32, #tpu.memory_space<hbm>> -> memref<512xf32, #tpu.memory_space<hbm>>
    %dma_start3A_1648 = tpu.memref_slice %arg5[%add3A_1644] : memref<16384xf32, #tpu.memory_space<hbm>> -> memref<512xf32, #tpu.memory_space<hbm>>
    %dma_start3A_1649 = arith.constant 512 : i32
    %dma_start3A_1650 = tpu.memref_slice %arg7[%dma_start3A_1649] : memref<1024xf32, #tpu.memory_space<vmem>> -> memref<512xf32, #tpu.memory_space<vmem>>
    tpu.enqueue_dma source(%dma_start3A_1650 : memref<512xf32, #tpu.memory_space<vmem>>) target(%dma_start3A_1648 : memref<512xf32, #tpu.memory_space<hbm>>) target_semaphore(%arg10 : memref<!tpu.dma_semaphore, #tpu.memory_space<semaphore_mem>>)
    %dma_wait3A_1651 = arith.constant 0 : i32
    %dma_wait3A_1652 = tpu.memref_slice %arg7[%dma_wait3A_1651] : memref<1024xf32, #tpu.memory_space<vmem>> -> memref<512xf32, #tpu.memory_space<vmem>>
    %dma_wait3A_1653 = tpu.memref_slice %arg5[%mul3A_2] : memref<16384xf32, #tpu.memory_space<hbm>> -> memref<512xf32, #tpu.memory_space<hbm>>
    %dma_wait3A_1654 = tpu.memref_slice %arg5[%mul3A_2] : memref<16384xf32, #tpu.memory_space<hbm>> -> memref<512xf32, #tpu.memory_space<hbm>>
    %dma_wait3A_1655 = arith.constant 0 : i32
    %dma_wait3A_1656 = tpu.memref_slice %arg7[%dma_wait3A_1655] : memref<1024xf32, #tpu.memory_space<vmem>> -> memref<512xf32, #tpu.memory_space<vmem>>
    tpu.wait_dma2 semaphore(%arg9 : memref<!tpu.dma_semaphore, #tpu.memory_space<semaphore_mem>>) src(%dma_wait3A_1656 : memref<512xf32, #tpu.memory_space<vmem>>) dst(%dma_wait3A_1654 : memref<512xf32, #tpu.memory_space<hbm>>)
    %dma_wait3A_1657 = arith.constant 512 : i32
    %dma_wait3A_1658 = tpu.memref_slice %arg7[%dma_wait3A_1657] : memref<1024xf32, #tpu.memory_space<vmem>> -> memref<512xf32, #tpu.memory_space<vmem>>
    %dma_wait3A_1659 = tpu.memref_slice %arg5[%add3A_1644] : memref<16384xf32, #tpu.memory_space<hbm>> -> memref<512xf32, #tpu.memory_space<hbm>>
    %dma_wait3A_1660 = tpu.memref_slice %arg5[%add3A_1644] : memref<16384xf32, #tpu.memory_space<hbm>> -> memref<512xf32, #tpu.memory_space<hbm>>
    %dma_wait3A_1661 = arith.constant 512 : i32
    %dma_wait3A_1662 = tpu.memref_slice %arg7[%dma_wait3A_1661] : memref<1024xf32, #tpu.memory_space<vmem>> -> memref<512xf32, #tpu.memory_space<vmem>>
    tpu.wait_dma2 semaphore(%arg10 : memref<!tpu.dma_semaphore, #tpu.memory_space<semaphore_mem>>) src(%dma_wait3A_1662 : memref<512xf32, #tpu.memory_space<vmem>>) dst(%dma_wait3A_1660 : memref<512xf32, #tpu.memory_space<hbm>>)
    return
  }
}

</mosaic_0001>

<sc_bundles>
// kernel: kernel.3.cloned.1.call-start
scs
__scs_entry_jumppad:
0x0: {  	(pc) =	sbr.rel $0x88, $3  }
0x1: {  	(tag) =	ssettag $0x0;
	lr =	simm.s32 $0x1  }
0x2: {  	[smem:$0x3F9E] =	sst lr;
	_ =	strace $0xD0000000  }
0x3: {  	_ = 	snop  }
0x4: {  	_ = 	snop  }
0x5: {  	_ = 	snop  }
0x6: {  	_ = 	snop  }
0x7: {  	_ = 	snop  }
__scs_overlays_trampoline_lowered:
0x8: {  	[smem:$0x3FAD] =	sst s0  }
0x9: {  	[smem:$0x3FAE] =	sst s1  }
0xa: {  	[smem:$0x3FAF] =	sst s2  }
0xb: {  	[smem:$0x3FB0] =	sst s3  }
0xc: {  	[smem:$0x3FB1] =	sst s4  }
0xd: {  	[smem:$0x3FB2] =	sst s5  }
0xe: {  	[smem:$0x3FB3] =	sst s6  }
0xf: {  	[smem:$0x3FB4] =	sst s7  }
0x10: {  	[smem:$0x3FB5] =	sst s8  }
0x11: {  	[smem:$0x3FB6] =	sst s9;
	s0 =	simm.s32 @!p0 $0x0  }
0x12: {  	s1 =	sld [smem:$0x3F9C];
	s0 =	simm.s32 @p0 $0x1  }
0x13: {  	[smem:$0x3FB7] =	sst s0;
	s0 =	simm.s32 @!p1 $0x0  }
0x14: {  	s2 =	sld [smem:$0x3F9B];
	s0 =	simm.s32 @p1 $0x1  }
0x15: {  	[smem:$0x3FB8] =	sst s0;
	s0 =	simm.s32 @!p2 $0x0  }
0x16: {  	s3 =	sld [smem:$0x3FDB];
	s0 =	simm.s32 @p2 $0x1  }
0x17: {  	s4 =	simm.s32 $0x1BF5;
	[smem:$0x3FBA] =	sst s0  }
0x18: {  	s0 =	sld [smem:$0x3F9D];
	_ =	swait.ge [sflag:s4], $0x0  }
0x19: {  	s7 =	sld [smem:$0x3F9E]  }
0x1a: {  	s8 =	sadd.s32 $0xFFFFE003, lr  }
0x1b: {  	s9 =	sadd.s32 $0xFFFFFEF7, lr;
	s5 =	simm.s32 $0xFFFFFFFF;
	p2 =	slt.u32 s8, $0xFFFFF086  }
0x1c: {  	p1 =	slt.u32 s9, $0xF7A;
	s5 =	simm.s32 @!p2 $0x0  }
0x1d: {  	s5 =	simm.s32 @p1 $0x1;
	p0 =	seq.s32 s7, s2  }
0x1e: {  	s7 =	smul.u32 @!p0 $0xF7A, s2;
	p2 =	seq.s32 @!p0 s5, $0x0  }
0x1f: {  	s9 =	smul.u32 $0xF7A, s1;
	s8 =	simm.s32 @!p0 $0x1BF5;
	p2 =	por !p2, p0  }
0x20: {  	[sflag:s8] =	ssyncset.s32 @!p0 $0xFFFFF086;
	s6 =	sadd.s32 @!p0 s3, s7;
	s7 =	simm.s32 @!p0 $0x108  }
0x21: {  	s3 =	sadd.s32 s3, s9;
	s6 =	sadd.s32 @!p0 $0x88, s6;
	s7 =	simm.s32 @p2 $0x1082  }
0x22: {  	[simem:s7], [sflag:s8] =	dma.local @!p0 [hbm:s6], $0xF7A  }
0x23: {  	s9 =	sor.u32 $0xD0000000, s2;
	s6 =	simm.s32 $0x108;
	_ =	swait.ge @!p0 [sflag:s8], $0x0  }
0x24: {  	s3 =	sadd.s32 $0x88, s3;
	s6 =	simm.s32 @!p1 $0x1082;
	[sflag:s4] =	ssyncset.s32 $0xFFFFF086  }
0x25: {  	[simem:s6], [sflag:s4] =	dma.local [hbm:s3], $0xF7A  }
0x26: {  	[smem:$0x3F9E] =	sst s1;
	(tag) =	ssettag s2;
	_ =	strace s9  }
0x27: {  	s1 =	sld [smem:$0x3FAE]  }
0x28: {  	s2 =	sld [smem:$0x3FAF]  }
0x29: {  	s4 =	sld [smem:$0x3FB1]  }
0x2a: {  	p0 =	seq.s32 s5, $0x0;
	s5 =	sld [smem:$0x3FB2]  }
0x2b: {  	s6 =	sld [smem:$0x3FB3]  }
0x2c: {  	s7 =	sld [smem:$0x3FB4]  }
0x2d: {  	s3 =	simm.s32 $0x108;
	s8 =	sld [smem:$0x3FB5]  }
0x2e: {  	s3 =	simm.s32 @!p0 $0x1082;
	s9 =	sld [smem:$0x3FB6]  }
0x2f: {  	lr =	sadd.s32 s0, s3;
	s0 =	sld [smem:$0x3FAD]  }
0x30: {  	s3 =	sld [smem:$0x3FB0]  }
0x31: {  	[smem:$0x3FB9] =	sst s10  }
0x32: {  	s10 =	sld [smem:$0x3FB7];
	_ =	sdelay $0x3  }
0x33: {  	p0 =	seq.s32 s10, $0x1;
	s10 =	sld [smem:$0x3FB9];
	_ =	sdelay $0x3  }
0x34: {  	[smem:$0x3FB9] =	sst s10  }
0x35: {  	s10 =	sld [smem:$0x3FB8];
	_ =	sdelay $0x3  }
0x36: {  	p1 =	seq.s32 s10, $0x1;
	s10 =	sld [smem:$0x3FB9];
	_ =	sdelay $0x3  }
0x37: {  	[smem:$0x3FB9] =	sst s10  }
0x38: {  	s10 =	sld [smem:$0x3FBA]  }
0x39: {  	_ = 	snop;
	(pc) =	sbr.ind lr, $3  }
0x3a: {  	_ = 	snop  }
0x3b: {  	_ = 	snop  }
0x3c: {  	p2 =	seq.s32 s10, $0x1;
	s10 =	sld [smem:$0x3FB9]  }
0x3d: {  	_ =	shalt  }
0x3e: {  	_ =	shalt  }
0x3f: {  	_ =	shalt  }
0x40: {  	_ =	shalt  }
0x41: {  	_ =	shalt  }
0x42: {  	_ =	shalt  }
0x43: {  	_ =	shalt  }
0x44: {  	_ =	shalt  }
0x45: {  	_ =	shalt  }
0x46: {  	_ =	shalt  }
0x47: {  	_ =	shalt  }
0x48: {  	_ =	shalt  }
0x49: {  	_ =	shalt  }
0x4a: {  	_ =	shalt  }
0x4b: {  	_ =	shalt  }
0x4c: {  	_ =	shalt  }
0x4d: {  	_ =	shalt  }
0x4e: {  	_ =	shalt  }
0x4f: {  	_ =	shalt  }
0x50: {  	_ =	shalt  }
0x51: {  	_ =	shalt  }
0x52: {  	_ =	shalt  }
0x53: {  	_ =	shalt  }
0x54: {  	_ =	shalt  }
0x55: {  	_ =	shalt  }
0x56: {  	_ =	shalt  }
0x57: {  	_ =	shalt  }
0x58: {  	_ =	shalt  }
0x59: {  	_ =	shalt  }
0x5a: {  	_ =	shalt  }
0x5b: {  	_ =	shalt  }
0x5c: {  	_ =	shalt  }
0x5d: {  	_ =	shalt  }
0x5e: {  	_ =	shalt  }
0x5f: {  	_ =	shalt  }
0x60: {  	_ =	shalt  }
0x61: {  	_ =	shalt  }
0x62: {  	_ =	shalt  }
0x63: {  	_ =	shalt  }
0x64: {  	_ =	shalt  }
0x65: {  	_ =	shalt  }
0x66: {  	_ =	shalt  }
0x67: {  	_ =	shalt  }
0x68: {  	_ =	shalt  }
0x69: {  	_ =	shalt  }
0x6a: {  	_ =	shalt  }
0x6b: {  	_ =	shalt  }
0x6c: {  	_ =	shalt  }
0x6d: {  	_ =	shalt  }
0x6e: {  	_ =	shalt  }
0x6f: {  	_ =	shalt  }
0x70: {  	_ =	shalt  }
0x71: {  	_ =	shalt  }
0x72: {  	_ =	shalt  }
0x73: {  	_ =	shalt  }
0x74: {  	_ =	shalt  }
0x75: {  	_ =	shalt  }
0x76: {  	_ =	shalt  }
0x77: {  	_ =	shalt  }
0x78: {  	_ =	shalt  }
0x79: {  	_ =	shalt  }
0x7a: {  	_ =	shalt  }
0x7b: {  	_ =	shalt  }
0x7c: {  	_ =	shalt  }
0x7d: {  	_ =	shalt  }
0x7e: {  	_ =	shalt  }
0x7f: {  	_ =	shalt  }
0x80: {  	_ =	shalt  }
0x81: {  	_ =	shalt  }
0x82: {  	_ =	shalt  }
0x83: {  	_ =	shalt  }
0x84: {  	_ =	shalt  }
0x85: {  	_ =	shalt  }
0x86: {  	_ =	shalt  }
0x87: {  	_ =	shalt  }
.Lfunc_end0:
.L_simem_size_0:
called_computation_lowered:
.L_overlay_start_0:
0x88: {  	s0 =	sld [smem:$0x3FD9]  }
0x89: {  	s1 =	sld [smem:$0x3FFE];
	_ =	sdelay $0x3  }
0x8a: {  	s0 =	sadd.s32 s1, s0  }
0x8b: {  	[smem:$0x3FC5] =	sst s0  }
0x8c: {  	_ = 	snop  }
0x8d: {  	s0 =	sld [smem:$0x3FD0];
	(tm) =	ssettm $0x1  }
0x8e: {  	s16 =	sld [smem:$0x3FFB];
	_ =	sdelay $0x3  }
0x8f: {  	_ =	strace s16  }
0x90: {  	s1 =	sld [smem:$0x3FFC];
	_ =	sdelay $0x3  }
0x91: {  	_ =	strace s1  }
0x92: {  	s1 =	sld [smem:$0x3FFD];
	_ =	sdelay $0x3  }
0x93: {  	_ =	strace s1  }
0x94: {  	_ =	strace $0x8FFFFFFF  }
0x95: {  	s17 =	sld [smem:$0x3FDB];
	_ =	sdelay $0x1  }
0x96: {  	s2 =	simm.s32 $_scs_section_size  }
0x97: {  	s3 =	simm.s32 $_size__tile_overlayer_lowered;
	s4 =	simm.s32 $_tile_overlayer_lowered  }
0x98: {  	s20 =	simm.s32 $0x1BFF;
	s19 =	sshll.u32 s4, $0x1;
	s1 =	sadd.s32 s2, s17  }
0x99: {  	s5 =	simm.s32 $0x0;
	s18 =	sshll.u32 s3, $0x1;
	s3 =	sadd.s32 s19, s1  }
0x9a: {  	[timem:s5], [sflag:s20] =	dma.local [hbm:s3], s18  }
0x9b: {  	_ =	swait.ge [sflag:s20], s18  }
0x9c: {  	s2 =	ssub.s32 $0x0, s18;
	[sflag:s20] =	ssyncset.done $0x0  }
0x9d: {  	[sflag:s20] =	ssyncadd.s32 s2;
	_ =	sdelay $0x1  }
0x9e: {  	s21 =	simm.s32 $0x1B8B  }
0x9f: {  	_ =	swait.ge [sflag:s21], $0x1  }
0xa0: {  	[sflag:s21] =	ssyncset.done $0x0  }
0xa1: {  	s23 =	simm.s32 $0x1B8E;
	s22 =	sld [smem:$0x3FFE];
	[sflag:s21] =	ssyncadd.s32 $0xFFFFFFFF  }
0xa2: {  	s24 =	simm.s32 $execute0_lowered;
	[smem:$0x3FD2] =	sst s23  }
0xa3: {  	s3 =	sshll.u32 s24, $0x1;
	_ =	strace $0x80000046;
	[dreg:$0x1] =	wrdreg $0xFFFFFFFF  }
0xa4: {  	s25 =	simm.s32 $_size_execute0_lowered;
	s1 =	sadd.s32 s1, s3;
	[dreg:$0x0] =	wrdreg $0x0  }
0xa5: {  	s3 =	sshll.u32 s25, $0x1;
	[dreg:$0x2] =	wrdreg s1  }
0xa6: {  	[dreg:$0x3] =	wrdreg s3  }
0xa7: {  	[dreg:$0x4] =	wrdreg $0xC0  }
0xa8: {  	_ =	task [dreg:s5], $0x5FFFF  }
0xa9: {  	[dreg:$0x1] =	wrdreg $0xFFFFFFFF  }
0xaa: {  	[dreg:$0x0] =	wrdreg $0x60  }
0xab: {  	[dreg:$0x2] =	wrdreg s22  }
0xac: {  	[dreg:$0x3] =	wrdreg s0  }
0xad: {  	[dreg:$0x4] =	wrdreg $0x9  }
0xae: {  	_ =	task.clear_ibuf [dreg:s5], $0x5FFFF;
	_ =	strace $0x90000046  }
0xaf: {  	s26 =	simm.s32 $0x9;
	_ =	strace $0x80000048  }
0xb0: {  	_ =	swait.ge [sflag:s26], $0x1  }
0xb1: {  	[sflag:s26] =	ssyncadd.s32 $0xFFFFFFFF  }
0xb2: {  	_ =	strace $0x90000048  }
0xb3: {  	_ =	sfence  }
0xb4: {  	s28 =	sld [smem:$0x0];
	_ =	sdelay $0x1  }
0xb5: {  	s29 =	srdreg.scid  }
0xb6: {  	s30 =	sshll.u32 s29, $0xD;
	s31 =	sshrl.u32 s29, $0x2  }
0xb7: {  	s2 =	sand.u32 $0x4000, s30;
	s1 =	sand.u32 $0x1, s29;
	s0 =	sadd.s32 s31, s28  }
0xb8: {  	s1 =	sor.u32 s2, s1;
	s0 =	sshll.u32 s0, $0x11  }
0xb9: {  	s0 =	sor.u32 s0, s1  }
0xba: {  	s0 =	sadd.s32 $0x8F2B, s0  }
0xbb: {  	[sflag:s0] =	ssyncadd.remote.s32 $0x1  }
0xbc: {  	_ =	sfence.sel $0xFFFF  }
0xbd: {  	[dreg:$0x0] =	wrdreg $0xFFFFFFFF;
	(pc) =	sbr.abs _section_cstart, $3  }
0xbe: {  	[dreg:$0x1] =	wrdreg $0xFFFFFFFF  }
0xbf: {  	_ =	task.clear_ibuf [dreg:s5], $0x2FFFF;
	_ =	strace $0x9FFFFFFF  }
0xc0: {  	(tm) =	ssettm $0x7FFFFFFF  }
0xc1: {  	_ =	shalt  }
tec
execute0_lowered:
.L_overlay_start_1:
0x0: {  	(tag) =	ssettag $0x1  }
0x1: {  	s3 =	rddreg [dreg:$0x0]  }
0x2: {  	s5 =	rddreg [dreg:$0x1]  }
0x3: {  	s0 =	rddreg [dreg:$0x2];
	s2 =	simm.s32 $0x0  }
0x4: {  	s1 =	stileid.u32;
	s7 =	simm.s32 $0xC00;
	[smem:$0x7FF] =	sst s2  }
0x5: {  	s6 =	sshll.u32 s1, $0x7;
	s4 =	sadd.s32 $0xA00, s3;
	_ =	strace $0x80000047  }
0x6: {  	[tilespmem:s7], [sflag:$0x1] =	stream.linear.gather [hbm4b:s4+s2], $0x8, $0x38;
	[tilespmem:$0xC80] =	vst v63  }
0x7: {  	s22 =	simm.s32 $0xC08;
	s21 =	sadd.s32 s6, s3;
	s3 =	sadd.s32 $0x800, s3  }
0x8: {  	[tilespmem:s22], [sflag:$0x1] =	stream.linear.gather [hbm4b:s3+s2], $0x8, $0x38;
	[tilespmem:$0xC80] =	vst v63  }
0x9: {  	s23 =	sadd.s32 $0xC00, s21  }
0xa: {  	[tilespmem:s2], [sflag:$0x2] =	stream.linear.gather [hbm4b:s23+s2], $0x400, $0x38;
	[tilespmem:$0xC80] =	vst v63  }
0xb: {  	s25 =	simm.s32 $0x400;
	s26 =	simm.s32 $0x1;
	s24 =	sadd.s32 $0x1400, s21  }
0xc: {  	[tilespmem:s25], [sflag:$0x3] =	stream.linear.gather [hbm4b:s24+s2], $0x400, $0x38;
	[tilespmem:$0xC80] =	vst v63  }
0xd: {  	_ =	swait.ge [sflag:s26], $0x8  }
0xe: {  	[sflag:s26] =	ssyncset.done $0x0  }
0xf: {  	[sflag:s26] =	ssyncadd.s32 $0xFFFFFFF8  }
0x10: {  	_ =	swait.ge [sflag:s26], $0x8  }
0x11: {  	[sflag:s26] =	ssyncset.done $0x0  }
0x12: {  	s28 =	simm.s32 $0x2;
	[sflag:s26] =	ssyncadd.s32 $0xFFFFFFF8  }
0x13: {  	v0 =	vld [tilespmem:$0xC00];
	_ =	swait.ge [sflag:s28], $0x400  }
0x14: {  	[sflag:s28] =	ssyncset.done $0x0  }
0x15: {  	s29 =	simm.s32 $0x3;
	[sflag:s28] =	ssyncadd.s32 $0xFFFFFC00  }
0x16: {  	_ =	swait.ge [sflag:s29], $0x400  }
0x17: {  	[sflag:s29] =	ssyncset.done $0x0  }
0x18: {  	[sflag:s29] =	ssyncadd.s32 $0xFFFFFC00  }
0x19: {  	v1 =	vld [tilespmem:$0x0]  }
0x1a: {  	v2 =	vld [tilespmem:$0x400]  }
0x1b: {  	v3 =	vld [tilespmem:$0x10]  }
0x1c: {  	v4 =	vld [tilespmem:$0x410]  }
0x1d: {  	v5 =	vld [tilespmem:$0x20]  }
0x1e: {  	v6 =	vld [tilespmem:$0x420]  }
0x1f: {  	v7 =	vld [tilespmem:$0x30]  }
0x20: {  	v8 =	vld [tilespmem:$0x430]  }
0x21: {  	v9 =	vld [tilespmem:$0x40]  }
0x22: {  	v10 =	vld [tilespmem:$0x440]  }
0x23: {  	v11 =	vld [tilespmem:$0x50]  }
0x24: {  	v12 =	vld [tilespmem:$0x450]  }
0x25: {  	v13 =	vld [tilespmem:$0x60]  }
0x26: {  	v14 =	vld [tilespmem:$0x460]  }
0x27: {  	v15 =	vld [tilespmem:$0x70]  }
0x28: {  	v16 =	vld [tilespmem:$0x470]  }
0x29: {  	v17 =	vld [tilespmem:$0x80]  }
0x2a: {  	v18 =	vld [tilespmem:$0x480]  }
0x2b: {  	v19 =	vld [tilespmem:$0x90]  }
0x2c: {  	v20 =	vld [tilespmem:$0x490]  }
0x2d: {  	v21 =	vld [tilespmem:$0xA0]  }
0x2e: {  	v22 =	vld [tilespmem:$0x4A0]  }
0x2f: {  	v23 =	vld [tilespmem:$0xB0]  }
0x30: {  	v24 =	vld [tilespmem:$0x4B0]  }
0x31: {  	v25 =	vld [tilespmem:$0xC0]  }
0x32: {  	v26 =	vld [tilespmem:$0x4C0]  }
0x33: {  	v27 =	vlaneseq.u32;
	v28 =	vld [tilespmem:$0xD0]  }
0x34: {  	v29 =	vshrl.u32 v27, $0x2;
	v30 =	vld [tilespmem:$0x4D0]  }
0x35: {  	v34 =	vand.u32 $0x3, v27;
	v29 =	vmul.u32 $0x2, v29;
	v31 =	vld [tilespmem:$0xE0]  }
0x36: {  	v27 =	vor.u32 $0xC, v27;
	v34 =	vor.u32 $0x8, v34;
	v32 =	vld [tilespmem:$0x4E0]  }
0x37: {  	v33 =	vperm.xlane v0, v29;
	v29 =	vor.u32 $0x1, v29;
	v34 =	vperm.xlane v0, v34;
	v35 =	vld [tilespmem:$0xF0]  }
0x38: {  	v29 =	vperm.xlane v0, v29;
	v36 =	vld [tilespmem:$0x4F0];
	v0 =	vperm.xlane v0, v27  }
0x39: {  	v27 =	vld [tilespmem:$0x100]  }
0x3a: {  	v37 =	vld [tilespmem:$0x500];
	v33 =	vmul.f32 v34, v33;
	v0 =	vmul.f32 v0, v29  }
0x3b: {  	v34 =	vld [tilespmem:$0x510]  }
0x3c: {  	v29 =	vld [tilespmem:$0x110];
	v0 =	vadd.f32 v0, v33;
	v1 =	vshll.u32 v1, $0x2  }
0x3d: {  	v33 =	vld [tilespmem:$0x120];
	v54 =	vshll.u32 v3, $0x2;
	v55 =	vshll.u32 v5, $0x2;
	v56 =	vshll.u32 v7, $0x2  }
0x3e: {  	v3 =	vld [tilespmem:$0x520];
	v59 =	vshll.u32 v9, $0x2;
	v62 =	vshll.u32 v11, $0x2;
	v1 =	vadd.s32 v2, v1  }
0x3f: {  	v5 =	vld [tilespmem:$0x130];
	v38 =	vshll.u32 v13, $0x2;
	v2 =	vadd.s32 v4, v54;
	v1 =	vperm.xlane v0, v1  }
0x40: {  	v7 =	vld [tilespmem:$0x530];
	v41 =	vshll.u32 v15, $0x2;
	v4 =	vadd.s32 v6, v55;
	v2 =	vperm.xlane v0, v2  }
0x41: {  	v9 =	vld [tilespmem:$0x540];
	v44 =	vshll.u32 v17, $0x2;
	v58 =	vadd.s32 v8, v56;
	v57 =	vperm.xlane v0, v4;
	[tilespmem:$0x800] =	vst v1  }
0x42: {  	v11 =	vld [tilespmem:$0x550];
	v47 =	vshll.u32 v19, $0x2;
	v61 =	vadd.s32 v10, v59;
	v60 =	vperm.xlane v0, v58;
	[tilespmem:$0x810] =	vst v2  }
0x43: {  	v13 =	vld [tilespmem:$0x560];
	v50 =	vshll.u32 v21, $0x2;
	v12 =	vadd.s32 v12, v62;
	v63 =	vperm.xlane v0, v61;
	[tilespmem:$0x820] =	vst v57  }
0x44: {  	v53 =	vshll.u32 v23, $0x2;
	v15 =	vld [tilespmem:$0x570];
	v40 =	vadd.s32 v14, v38;
	v39 =	vperm.xlane v0, v12;
	[tilespmem:$0x830] =	vst v60  }
0x45: {  	v17 =	vld [tilespmem:$0x580];
	v23 =	vshll.u32 v35, $0x2;
	v43 =	vadd.s32 v16, v41;
	v42 =	vperm.xlane v0, v40;
	[tilespmem:$0x840] =	vst v63  }
0x46: {  	v27 =	vshll.u32 v27, $0x2;
	v35 =	vld [tilespmem:$0x5A0];
	v46 =	vadd.s32 v18, v44;
	v45 =	vperm.xlane v0, v43;
	[tilespmem:$0x850] =	vst v39  }
0x47: {  	v8 =	vld [tilespmem:$0x140];
	v49 =	vadd.s32 v20, v47;
	v52 =	vadd.s32 v22, v50;
	v48 =	vperm.xlane v0, v46;
	[tilespmem:$0x860] =	vst v42  }
0x48: {  	v10 =	vld [tilespmem:$0x150];
	v56 =	vshll.u32 v25, $0x2;
	v62 =	vshll.u32 v31, $0x2;
	v51 =	vperm.xlane v0, v49;
	[tilespmem:$0x870] =	vst v45  }
0x49: {  	v14 =	vld [tilespmem:$0x170];
	v31 =	vadd.s32 v37, v27;
	v54 =	vperm.xlane v0, v52;
	v58 =	vadd.s32 v26, v56;
	[tilespmem:$0x880] =	vst v48  }
0x4a: {  	v16 =	vld [tilespmem:$0x180];
	v22 =	vadd.s32 v32, v62;
	v26 =	vadd.s32 v36, v23;
	v36 =	vperm.xlane v0, v31;
	[tilespmem:$0x890] =	vst v51  }
0x4b: {  	v59 =	vshll.u32 v28, $0x2;
	v18 =	vld [tilespmem:$0x190];
	v25 =	vperm.xlane v0, v22;
	[tilespmem:$0x8A0] =	vst v54  }
0x4c: {  	v55 =	vadd.s32 v24, v53;
	v24 =	vld [tilespmem:$0x590];
	v61 =	vadd.s32 v30, v59;
	v30 =	vperm.xlane v0, v26;
	[tilespmem:$0x900] =	vst v36  }
0x4d: {  	v28 =	vld [tilespmem:$0x1A0];
	v57 =	vperm.xlane v0, v55;
	[tilespmem:$0x8E0] =	vst v25  }
0x4e: {  	v50 =	vld [tilespmem:$0x5C0];
	v32 =	vshll.u32 v29, $0x2;
	v60 =	vperm.xlane v0, v58;
	[tilespmem:$0x8F0] =	vst v30  }
0x4f: {  	v12 =	vld [tilespmem:$0x160];
	v37 =	vadd.s32 v34, v32;
	v63 =	vperm.xlane v0, v61;
	v38 =	vshll.u32 v33, $0x2;
	[tilespmem:$0x8B0] =	vst v57  }
0x50: {  	v46 =	vld [tilespmem:$0x1C0];
	v40 =	vperm.xlane v0, v37;
	v3 =	vadd.s32 v3, v38;
	v41 =	vshll.u32 v5, $0x2;
	[tilespmem:$0x8C0] =	vst v60  }
0x51: {  	v62 =	vld [tilespmem:$0x1E0];
	[tilespmem:$0x8D0] =	vst v63;
	v43 =	vperm.xlane v0, v3;
	v44 =	vadd.s32 v7, v41;
	v45 =	vshll.u32 v8, $0x2  }
0x52: {  	v39 =	vld [tilespmem:$0x1B0];
	[tilespmem:$0x910] =	vst v40;
	v49 =	vshll.u32 v10, $0x2;
	v47 =	vperm.xlane v0, v44;
	v48 =	vadd.s32 v9, v45  }
0x53: {  	v42 =	vld [tilespmem:$0x5B0];
	v57 =	vshll.u32 v14, $0x2;
	v52 =	vadd.s32 v11, v49;
	[tilespmem:$0x920] =	vst v43;
	v51 =	vperm.xlane v0, v48  }
0x54: {  	v54 =	vld [tilespmem:$0x1D0];
	v61 =	vshll.u32 v16, $0x2;
	v60 =	vadd.s32 v15, v57;
	v55 =	vperm.xlane v0, v52;
	[tilespmem:$0x930] =	vst v47  }
0x55: {  	v58 =	vld [tilespmem:$0x5D0];
	v16 =	vshll.u32 v18, $0x2;
	v15 =	vadd.s32 v17, v61;
	v63 =	vperm.xlane v0, v60;
	[tilespmem:$0x940] =	vst v51  }
0x56: {  	v25 =	vld [tilespmem:$0x1F0];
	v53 =	vshll.u32 v12, $0x2;
	v23 =	vadd.s32 v24, v16;
	v18 =	vperm.xlane v0, v15;
	[tilespmem:$0x950] =	vst v55  }
0x57: {  	v29 =	vld [tilespmem:$0x5F0];
	v24 =	vshll.u32 v28, $0x2;
	v56 =	vadd.s32 v13, v53;
	v26 =	vperm.xlane v0, v23;
	[tilespmem:$0x970] =	vst v63  }
0x58: {  	v17 =	vld [tilespmem:$0x5E0];
	v32 =	vshll.u32 v46, $0x2;
	v27 =	vadd.s32 v35, v24;
	v59 =	vperm.xlane v0, v56;
	[tilespmem:$0x980] =	vst v18  }
0x59: {  	v34 =	vadd.s32 v50, v32;
	v28 =	vshll.u32 v39, $0x2;
	v30 =	vperm.xlane v0, v27;
	[tilespmem:$0x990] =	vst v26  }
0x5a: {  	v35 =	vshll.u32 v54, $0x2;
	v36 =	vperm.xlane v0, v34;
	v31 =	vadd.s32 v42, v28;
	[tilespmem:$0x960] =	vst v59  }
0x5b: {  	v37 =	vadd.s32 v58, v35;
	v41 =	vshll.u32 v25, $0x2;
	v33 =	vperm.xlane v0, v31;
	[tilespmem:$0x9A0] =	vst v30  }
0x5c: {  	v38 =	vshll.u32 v62, $0x2;
	v39 =	vperm.xlane v0, v37;
	[tilespmem:$0x9C0] =	vst v36;
	v43 =	vadd.s32 v29, v41  }
0x5d: {  	v40 =	vadd.s32 v17, v38;
	v44 =	vperm.xlane v0, v43;
	[tilespmem:$0x9B0] =	vst v33  }
0x5e: {  	v42 =	vperm.xlane v0, v40;
	[tilespmem:$0x9D0] =	vst v39  }
0x5f: {  	[tilespmem:$0x9F0] =	vst v44  }
0x60: {  	s30 =	simm.s32 $0x800;
	s5 =	sadd.s32 s5, s6;
	[tilespmem:$0x9E0] =	vst v42  }
0x61: {  	[hbm4b:s5+s2] =	stream.linear.scatter [tilespmem:s30], [sflag:$0x1], $0x200, $0x38;
	[tilespmem:$0xC80] =	vst v63  }
0x62: {  	v45 =	vld [tilespmem:$0x200]  }
0x63: {  	v46 =	vld [tilespmem:$0x600]  }
0x64: {  	v47 =	vld [tilespmem:$0x210]  }
0x65: {  	v48 =	vld [tilespmem:$0x610]  }
0x66: {  	v49 =	vld [tilespmem:$0x220]  }
0x67: {  	v50 =	vld [tilespmem:$0x620]  }
0x68: {  	v51 =	vld [tilespmem:$0x230]  }
0x69: {  	v52 =	vld [tilespmem:$0x630]  }
0x6a: {  	v53 =	vld [tilespmem:$0x240]  }
0x6b: {  	v54 =	vld [tilespmem:$0x640]  }
0x6c: {  	v55 =	vld [tilespmem:$0x250]  }
0x6d: {  	v56 =	vld [tilespmem:$0x650]  }
0x6e: {  	v57 =	vld [tilespmem:$0x260]  }
0x6f: {  	v58 =	vld [tilespmem:$0x660]  }
0x70: {  	v59 =	vld [tilespmem:$0x270]  }
0x71: {  	v60 =	vld [tilespmem:$0x670]  }
0x72: {  	v61 =	vld [tilespmem:$0x280]  }
0x73: {  	v62 =	vld [tilespmem:$0x680]  }
0x74: {  	v63 =	vld [tilespmem:$0x290]  }
0x75: {  	v20 =	vld [tilespmem:$0x690]  }
0x76: {  	v21 =	vld [tilespmem:$0x2A0]  }
0x77: {  	v22 =	vld [tilespmem:$0x6A0]  }
0x78: {  	v23 =	vld [tilespmem:$0x2B0]  }
0x79: {  	v24 =	vld [tilespmem:$0x6B0]  }
0x7a: {  	v25 =	vld [tilespmem:$0x2C0]  }
0x7b: {  	v40 =	vld [tilespmem:$0x6C0]  }
0x7c: {  	v41 =	vld [tilespmem:$0x2D0]  }
0x7d: {  	v28 =	vld [tilespmem:$0x6D0]  }
0x7e: {  	v29 =	vld [tilespmem:$0x2E0]  }
0x7f: {  	v30 =	vld [tilespmem:$0x6E0]  }
0x80: {  	v31 =	vld [tilespmem:$0x2F0]  }
0x81: {  	v32 =	vld [tilespmem:$0x6F0]  }
0x82: {  	v33 =	vld [tilespmem:$0x300]  }
0x83: {  	v34 =	vld [tilespmem:$0x700]  }
0x84: {  	v35 =	vld [tilespmem:$0x310]  }
0x85: {  	v36 =	vld [tilespmem:$0x710]  }
0x86: {  	v37 =	vld [tilespmem:$0x320];
	v1 =	vshll.u32 v45, $0x2;
	v42 =	vshll.u32 v47, $0x2;
	v43 =	vshll.u32 v49, $0x2  }
0x87: {  	v3 =	vld [tilespmem:$0x720];
	v44 =	vshll.u32 v51, $0x2;
	v47 =	vshll.u32 v53, $0x2;
	v1 =	vadd.s32 v46, v1  }
0x88: {  	v8 =	vld [tilespmem:$0x340];
	v53 =	vshll.u32 v57, $0x2;
	v2 =	vadd.s32 v48, v42;
	v1 =	vperm.xlane v0, v1  }
0x89: {  	v5 =	vld [tilespmem:$0x330];
	v19 =	vshll.u32 v21, $0x2;
	v4 =	vadd.s32 v50, v43;
	v2 =	vperm.xlane v0, v2  }
0x8a: {  	v9 =	vld [tilespmem:$0x740];
	v38 =	vshll.u32 v25, $0x2;
	v46 =	vadd.s32 v52, v44;
	v45 =	vperm.xlane v0, v4;
	[tilespmem:$0xA00] =	vst v1  }
0x8b: {  	v7 =	vld [tilespmem:$0x730];
	v41 =	vshll.u32 v41, $0x2;
	v49 =	vadd.s32 v54, v47;
	v48 =	vperm.xlane v0, v46;
	[tilespmem:$0xA10] =	vst v2  }
0x8c: {  	v10 =	vld [tilespmem:$0x350];
	v50 =	vshll.u32 v55, $0x2;
	v55 =	vadd.s32 v58, v53;
	v51 =	vperm.xlane v0, v49;
	[tilespmem:$0xA20] =	vst v45  }
0x8d: {  	v11 =	vld [tilespmem:$0x750];
	v25 =	vshll.u32 v8, $0x2;
	v21 =	vadd.s32 v22, v19;
	v57 =	vperm.xlane v0, v55;
	[tilespmem:$0xA30] =	vst v48  }
0x8e: {  	v16 =	vld [tilespmem:$0x380];
	v22 =	vshll.u32 v23, $0x2;
	v40 =	vadd.s32 v40, v38;
	v23 =	vperm.xlane v0, v21;
	[tilespmem:$0xA40] =	vst v51  }
0x8f: {  	v12 =	vld [tilespmem:$0x360];
	v43 =	vadd.s32 v28, v41;
	v28 =	vadd.s32 v9, v25;
	v42 =	vperm.xlane v0, v40;
	[tilespmem:$0xA60] =	vst v57  }
0x90: {  	v17 =	vld [tilespmem:$0x780];
	v47 =	vshll.u32 v31, $0x2;
	v52 =	vadd.s32 v56, v50;
	v31 =	vperm.xlane v0, v28;
	[tilespmem:$0xAA0] =	vst v23  }
0x91: {  	v13 =	vld [tilespmem:$0x760];
	v44 =	vshll.u32 v29, $0x2;
	v24 =	vadd.s32 v24, v22;
	v54 =	vperm.xlane v0, v52;
	[tilespmem:$0xAC0] =	vst v42  }
0x92: {  	v14 =	vld [tilespmem:$0x370];
	v29 =	vshll.u32 v10, $0x2;
	v46 =	vadd.s32 v30, v44;
	v39 =	vperm.xlane v0, v24;
	[tilespmem:$0xB40] =	vst v31  }
0x93: {  	v15 =	vld [tilespmem:$0x770];
	v41 =	vshll.u32 v16, $0x2;
	v50 =	vadd.s32 v32, v47;
	v49 =	vperm.xlane v0, v46;
	[tilespmem:$0xA50] =	vst v54  }
0x94: {  	v26 =	vld [tilespmem:$0x3C0];
	v56 =	vshll.u32 v59, $0x2;
	v32 =	vadd.s32 v11, v29;
	v53 =	vperm.xlane v0, v50;
	[tilespmem:$0xAB0] =	vst v39  }
0x95: {  	v38 =	vld [tilespmem:$0x7D0];
	v55 =	vshll.u32 v35, $0x2;
	v44 =	vadd.s32 v17, v41;
	v35 =	vperm.xlane v0, v32;
	[tilespmem:$0xAE0] =	vst v49  }
0x96: {  	v59 =	vshll.u32 v61, $0x2;
	v30 =	vld [tilespmem:$0x7C0];
	v58 =	vadd.s32 v60, v56;
	v47 =	vperm.xlane v0, v44;
	[tilespmem:$0xAF0] =	vst v53  }
0x97: {  	v61 =	vadd.s32 v62, v59;
	v52 =	vld [tilespmem:$0x3A0];
	v60 =	vperm.xlane v0, v58;
	[tilespmem:$0xB50] =	vst v35  }
0x98: {  	v62 =	vshll.u32 v63, $0x2;
	v56 =	vld [tilespmem:$0x7A0];
	v63 =	vperm.xlane v0, v61;
	[tilespmem:$0xB80] =	vst v47  }
0x99: {  	v59 =	vshll.u32 v37, $0x2;
	v46 =	vld [tilespmem:$0x7E0];
	v18 =	vadd.s32 v20, v62;
	v45 =	vperm.xlane v0, v43;
	[tilespmem:$0xA70] =	vst v60  }
0x9a: {  	v37 =	vshll.u32 v14, $0x2;
	v48 =	vld [tilespmem:$0x790];
	v58 =	vadd.s32 v36, v55;
	v20 =	vperm.xlane v0, v18;
	[tilespmem:$0xA80] =	vst v63  }
0x9b: {  	v51 =	vshll.u32 v33, $0x2;
	v3 =	vadd.s32 v3, v59;
	v18 =	vld [tilespmem:$0x390];
	v61 =	vperm.xlane v0, v58;
	[tilespmem:$0xAD0] =	vst v45  }
0x9c: {  	v40 =	vadd.s32 v15, v37;
	v54 =	vadd.s32 v34, v51;
	v23 =	vperm.xlane v0, v3;
	v34 =	vld [tilespmem:$0x3D0];
	[tilespmem:$0xA90] =	vst v20  }
0x9d: {  	v62 =	vshll.u32 v5, $0x2;
	v43 =	vperm.xlane v0, v40;
	v60 =	vld [tilespmem:$0x3B0];
	[tilespmem:$0xB10] =	vst v61  }
0x9e: {  	v33 =	vshll.u32 v12, $0x2;
	v24 =	vadd.s32 v7, v62;
	v57 =	vperm.xlane v0, v54;
	v63 =	vld [tilespmem:$0x7B0];
	[tilespmem:$0xB20] =	vst v23  }
0x9f: {  	v42 =	vld [tilespmem:$0x3E0];
	v36 =	vadd.s32 v13, v33;
	v27 =	vperm.xlane v0, v24;
	[tilespmem:$0xB70] =	vst v43;
	v49 =	vshll.u32 v52, $0x2  }
0xa0: {  	v50 =	vld [tilespmem:$0x3F0];
	v39 =	vperm.xlane v0, v36;
	[tilespmem:$0xB00] =	vst v57;
	v52 =	vadd.s32 v56, v49;
	v56 =	vshll.u32 v26, $0x2  }
0xa1: {  	v54 =	vld [tilespmem:$0x7F0];
	[tilespmem:$0xB30] =	vst v27;
	v45 =	vshll.u32 v18, $0x2;
	v3 =	vperm.xlane v0, v52;
	v57 =	vadd.s32 v30, v56  }
0xa2: {  	[tilespmem:$0xB60] =	vst v39;
	v48 =	vadd.s32 v48, v45;
	v53 =	vshll.u32 v60, $0x2;
	v2 =	vperm.xlane v0, v57  }
0xa3: {  	v58 =	vshll.u32 v34, $0x2;
	v51 =	vperm.xlane v0, v48;
	v55 =	vadd.s32 v63, v53;
	[tilespmem:$0xBA0] =	vst v3  }
0xa4: {  	v59 =	vadd.s32 v38, v58;
	v60 =	vshll.u32 v42, $0x2;
	v1 =	vperm.xlane v0, v55;
	[tilespmem:$0xBC0] =	vst v2  }
0xa5: {  	v62 =	vshll.u32 v50, $0x2;
	v61 =	vadd.s32 v46, v60;
	v3 =	vperm.xlane v0, v59;
	[tilespmem:$0xB90] =	vst v51  }
0xa6: {  	v63 =	vadd.s32 v54, v62;
	[tilespmem:$0xBB0] =	vst v1;
	v1 =	vperm.xlane v0, v61  }
0xa7: {  	[tilespmem:$0xBD0] =	vst v3;
	v0 =	vperm.xlane v0, v63  }
0xa8: {  	[tilespmem:$0xBE0] =	vst v1  }
0xa9: {  	s31 =	simm.s32 $0xA00;
	s5 =	sadd.s32 $0x40, s5;
	[tilespmem:$0xBF0] =	vst v0  }
0xaa: {  	[hbm4b:s5+s2] =	stream.linear.scatter [tilespmem:s31], [sflag:$0x2], $0x200, $0x38;
	[tilespmem:$0xC80] =	vst v63  }
0xab: {  	_ =	swait.ge [sflag:s26], $0x200  }
0xac: {  	[sflag:s26] =	ssyncset.done $0x0  }
0xad: {  	[sflag:s26] =	ssyncadd.s32 $0xFFFFFE00  }
0xae: {  	_ =	swait.ge [sflag:s28], $0x200  }
0xaf: {  	[sflag:s28] =	ssyncset.done $0x0  }
0xb0: {  	[sflag:s28] =	ssyncadd.s32 $0xFFFFFE00  }
0xb1: {  	_ =	sfence.sel $0x180000  }
0xb2: {  	[bflag:$0x0] =	sbarrier.arrive $0xFFFF  }
0xb3: {  	p0 =	sne.s32 s1, $0x0;
	_ =	strace $0x90000047  }
0xb4: {  	s0 =	sadd.s32 @!p0 $0x100000, s0;
	[bflag:$0x2] =	sbarrier.arrive $0xFFFF  }
0xb5: {  	[sflag:s0] =	ssyncadd.tile.s32 @!p0 $0x1;
	_ =	shalt  }
.Lfunc_end2:
_tile_overlayer_lowered:
.L_overlay_start_2:
0xb6: {  	(tag) =	ssettag $0x2  }
0xb7: {  	s0 =	rddreg [dreg:$0x0];
	s2 =	stileid.u32  }
0xb8: {  	s1 =	rddreg [dreg:$0x1];
	p0 =	sne.s32 s2, $0x0  }
0xb9: {  	s3 =	rddreg [dreg:$0x2];
	[bflag:$0x3] =	sbarrier.arrive $0xFFFF;
	s2 =	simm.s32 @!p0 $0x1C04  }
0xba: {  	[timem:s3], [sflag:s2] =	dma.local @!p0 [hbm:s0], s1  }
0xbb: {  	s0 =	simm.s32 @!p0 $0x4  }
0xbc: {  	_ =	swait.ge @!p0 [sflag:s0], s1  }
0xbd: {  	s1 =	ssub.s32 @!p0 $0x0, s1;
	[sflag:s0] =	ssyncset.done @!p0 $0x0  }
0xbe: {  	[sflag:s0] =	ssyncadd.s32 @!p0 s1  }
0xbf: {  	[bflag:$0x3] =	sbarrier.arrive $0xFFFF  }
0xc0: {  	_ =	shalt  }

</sc_bundles>
